<compile_context>
chip_gen: v7x
topology: tpu7x:2x2x1
jax: 0.10.2.dev20260603
libtpu: 0.0.44.dev20260713+nightly
codegen_flags: <defaults>
</compile_context>

<pallas_src>
import functools

import jax
import jax.numpy as jnp
from jax import lax
from jax.experimental import pallas as pl
from jax.experimental.pallas import tpu as pltpu
from jax.experimental.pallas import tpu_sc as plsc

_BETA = 0.001
_NSPLITS = 8
_NUM_EMB = 1024
_EMB_DIM = 32

_BT = 1024


def _tc_body(z_ref, cb_ref, idx_ref, loss_ref, cn_ref):
    b = pl.program_id(0)

    @pl.when(b == 0)
    def _():
        cn_ref[...] = jnp.sum(cb_ref[...] * cb_ref[...], axis=2)

    cols = []
    lsum = jnp.float32(0.0)
    iotaf = lax.broadcasted_iota(
        jnp.int32, (z_ref.shape[0], _NUM_EMB), 1).astype(jnp.float32)
    for i in range(_NSPLITS):
        zc = z_ref[:, i * _EMB_DIM:(i + 1) * _EMB_DIM]
        w = cb_ref[i]
        s2 = lax.dot_general(zc * (-2.0), w, (((1,), (1,)), ((), ())),
                             preferred_element_type=jnp.float32)
        rn = jnp.sum(zc * zc, axis=1, keepdims=True)
        cn = cn_ref[i][None, :]
        d = (rn + cn) + s2
        m = jnp.min(d, axis=1, keepdims=True)
        idxf = jnp.min(jnp.where(d == m, iotaf, float(_NUM_EMB)), axis=1)
        idx = idxf.astype(jnp.int32)
        cols.append((idx + i * _NUM_EMB)[:, None])
        lsum = lsum + jnp.sum(m)
    idx_ref[...] = jnp.concatenate(cols, axis=1)
    prev = jnp.where(b == 0, 0.0, loss_ref[0, 0])
    loss_ref[0, 0] = prev + lsum


def _tc_indices(z, codebooks, nh, off):
    grid = nh // _BT
    return pl.pallas_call(
        _tc_body,
        grid=(grid,),
        in_specs=[
            pl.BlockSpec((_BT, _NSPLITS * _EMB_DIM), lambda b: (b + off, 0)),
            pl.BlockSpec((_NSPLITS, _NUM_EMB, _EMB_DIM), lambda b: (0, 0, 0)),
        ],
        out_specs=[
            pl.BlockSpec((_BT, _NSPLITS), lambda b: (b, 0)),
            pl.BlockSpec(memory_space=pltpu.SMEM, block_shape=(1, 1),
                         index_map=lambda b: (0, 0)),
        ],
        out_shape=[
            jax.ShapeDtypeStruct((nh, _NSPLITS), jnp.int32),
            jax.ShapeDtypeStruct((1, 1), jnp.float32),
        ],
        scratch_shapes=[pltpu.VMEM((_NSPLITS, _NUM_EMB), jnp.float32)],
    )(z, codebooks)



_SC_CHUNK = 1024
_SC_IDXC = 128


def _make_sc_gather(b_total):
    info = plsc.get_sparse_core_info()
    nw = info.num_cores * info.num_subcores
    b_per_w = b_total // nw
    nch = b_per_w // _SC_CHUNK
    mesh = plsc.VectorSubcoreMesh(core_axis_name="c", subcore_axis_name="s")

    @functools.partial(
        pl.kernel, mesh=mesh,
        out_type=jax.ShapeDtypeStruct((b_total, _EMB_DIM), jnp.float32),
        scratch_types=[
            pltpu.VMEM((_SC_CHUNK,), jnp.int32),
            pltpu.VMEM((_SC_CHUNK, _EMB_DIM), jnp.float32),
            pltpu.SemaphoreType.DMA,
        ],
        compiler_params=pltpu.CompilerParams(use_tc_tiling_on_sc=False),
    )
    def _sc_gather(table_hbm, idx_hbm, out_hbm, idx_v, rows_v, sem):
        wid = lax.axis_index("s") * info.num_cores + lax.axis_index("c")
        base = wid * b_per_w

        def chunk(jc, carry):
            row0 = base + jc * _SC_CHUNK
            pltpu.sync_copy(idx_hbm.at[pl.ds(row0, _SC_CHUNK)], idx_v)
            copies = []
            for k in range(_SC_CHUNK // _SC_IDXC):
                copies.append(pltpu.async_copy(
                    table_hbm.at[idx_v.at[pl.ds(k * _SC_IDXC, _SC_IDXC)]],
                    rows_v.at[pl.ds(k * _SC_IDXC, _SC_IDXC)],
                    sem))
            for c in copies:
                c.wait()
            pltpu.sync_copy(rows_v, out_hbm.at[pl.ds(row0, _SC_CHUNK)])
            return carry

        lax.fori_loop(0, nch, chunk, 0)

    return _sc_gather


def kernel(z, codebooks):
    n = z.shape[0]
    idx, lsum = _tc_indices(z, codebooks, n, 0)
    table = codebooks.reshape(_NSPLITS * _NUM_EMB, _EMB_DIM)
    rows = _make_sc_gather(n * _NSPLITS)(table, idx.reshape(-1))
    zq = rows.reshape(n, _NSPLITS * _EMB_DIM)
    loss = (1.0 + _BETA) * lsum[0, 0] / jnp.float32(n * _EMB_DIM)
    return zq, loss

# --- scband reference (transcript-rebuilt; emitter-appended) ---
"""Pipeline reference for scband-code-book-52072183497474 (READ-ONLY COPY).

The authoritative reference and input builder live on the scoring server;
editing this copy changes nothing except your own understanding.
"""

import jax, jax.numpy as jnp
import numpy as np

BETA = 0.001
NSPLITS = 8
NUM_EMB = 1024
EMB_DIM = 32


def setup_inputs(seed: int = 0):
    key = jax.random.key(seed)
    k1, k2 = jax.random.split(key)
    z = jax.random.normal(k1, (16384, 256), dtype=jnp.float32)
    codebooks = jax.random.normal(k2, (NSPLITS, NUM_EMB, EMB_DIM), dtype=jnp.float32) * 0.02
    return {"z": z, "codebooks": codebooks}


def reference(z, codebooks):
    nsplits = codebooks.shape[0]
    chunks = jnp.split(z, nsplits, axis=-1)
    loss = jnp.asarray(0.0, jnp.float32)
    zqs = []
    for i in range(nsplits):
        zc = chunks[i]
        W = codebooks[i]
        d = (jnp.sum(zc ** 2, axis=1, keepdims=True)
             + jnp.sum(W ** 2, axis=1)
             - 2.0 * jnp.matmul(zc, W.T))
        min_encoding_indices = jnp.argmin(d, axis=1)
        z_q = jnp.take(W, min_encoding_indices, axis=0)
        loss = loss + jnp.mean((jax.lax.stop_gradient(z_q) - zc) ** 2) \
                    + BETA * jnp.mean((z_q - jax.lax.stop_gradient(zc)) ** 2)
        z_q_st = zc + jax.lax.stop_gradient(z_q - zc)
        zqs.append(z_q_st)
    return jnp.concatenate(zqs, axis=-1), loss

if __name__ == "__main__":
    import jax
    _d = setup_inputs()
    print(jax.jit(kernel)(*tuple(_d.values())))

</pallas_src>

<mosaic_0001>
#map = affine_map<(d0, d1) -> (0, 0)>
#map1 = affine_map<(d0, d1) -> (0)>
module attributes {stable_mosaic.version = 14 : i64} {
  func.func @_sc_gather(%arg0: i32, %arg1: i32, %arg2: memref<8192x32xf32, #tpu.memory_space<hbm>>, %arg3: memref<131072xi32, #tpu.memory_space<hbm>>, %arg4: memref<131072x32xf32, #tpu.memory_space<hbm>>, %arg5: memref<1024xi32, #tpu.memory_space<vmem>>, %arg6: memref<1024x32xf32, #tpu.memory_space<vmem>>, %arg7: memref<!tpu.dma_semaphore, #tpu.memory_space<semaphore_mem>>) attributes {dimension_semantics = [#tpu.dimension_semantics<core_parallel>, #tpu.dimension_semantics<subcore_parallel>], iteration_bounds = array<i64: 2, 16>, scalar_prefetch = 0 : i64, scratch_operands = 3 : i64, tpu.core_type = #tpu.core_type<sc_vector_subcore>, window_params = [{transform_indices = #map}, {transform_indices = #map1}, {transform_indices = #map}]} {
    %mul3A = arith.constant 2 : i32
    %mul3A_0 = arith.muli %arg1, %mul3A : i32
    %add3A = arith.addi %mul3A_0, %arg0 : i32
    %mul3A_1 = arith.constant 4096 : i32
    %mul3A_2 = arith.muli %add3A, %mul3A_1 : i32
    %scan3A = arith.constant 0 : i32
    %scan3A_3 = arith.constant 0 : i32
    %scan3A_4 = arith.constant 4 : i32
    %scan3A_5 = arith.addi %scan3A_3, %scan3A_4 : i32
    %scan3A_6 = arith.constant 1 : i32
    scf.for %scan3A_8 = %scan3A_3 to %scan3A_5 step %scan3A_6  : i32 {
      %mul3A_9 = arith.constant 1024 : i32
      %mul3A_10 = arith.muli %scan3A_8, %mul3A_9 : i32
      %add3A_11 = arith.addi %mul3A_2, %mul3A_10 : i32
      "tpu.region"() ({
        %run_scoped3A = tpu.sem_alloc : memref<!tpu.dma_semaphore, #tpu.memory_space<semaphore_mem>>
        %dma_start3A_138 = tpu.memref_slice %arg3[%add3A_11] : memref<131072xi32, #tpu.memory_space<hbm>> -> memref<1024xi32, #tpu.memory_space<hbm>>
        %dma_start3A_139 = tpu.memref_slice %arg3[%add3A_11] : memref<131072xi32, #tpu.memory_space<hbm>> -> memref<1024xi32, #tpu.memory_space<hbm>>
        tpu.enqueue_dma source(%dma_start3A_139 : memref<1024xi32, #tpu.memory_space<hbm>>) target(%arg5 : memref<1024xi32, #tpu.memory_space<vmem>>) target_semaphore(%run_scoped3A : memref<!tpu.dma_semaphore, #tpu.memory_space<semaphore_mem>>)
        %dma_wait3A_140 = tpu.memref_slice %arg3[%add3A_11] : memref<131072xi32, #tpu.memory_space<hbm>> -> memref<1024xi32, #tpu.memory_space<hbm>>
        %dma_wait3A_141 = tpu.memref_slice %arg3[%add3A_11] : memref<131072xi32, #tpu.memory_space<hbm>> -> memref<1024xi32, #tpu.memory_space<hbm>>
        tpu.wait_dma2 semaphore(%run_scoped3A : memref<!tpu.dma_semaphore, #tpu.memory_space<semaphore_mem>>) src(%dma_wait3A_141 : memref<1024xi32, #tpu.memory_space<hbm>>) dst(%arg5 : memref<1024xi32, #tpu.memory_space<vmem>>)
        tpu.yield
      }) : () -> ()
      %dma_start3A = arith.constant 0 : i32
      %dma_start3A_12 = arith.constant 0 : i32
      %dma_start3A_13 = tpu.memref_slice %arg6[%dma_start3A, %dma_start3A_12] : memref<1024x32xf32, #tpu.memory_space<vmem>> -> memref<128x32xf32, #tpu.memory_space<vmem>>
      %dma_start3A_14 = arith.constant 0 : i32
      %dma_start3A_15 = tpu.memref_slice %arg5[%dma_start3A_14] : memref<1024xi32, #tpu.memory_space<vmem>> -> memref<128xi32, #tpu.memory_space<vmem>>
      %dma_start3A_16 = arith.constant 0 : i32
      %dma_start3A_17 = arith.constant 0 : i32
      %dma_start3A_18 = tpu.memref_slice %arg2[%dma_start3A_16, %dma_start3A_17] : memref<8192x32xf32, #tpu.memory_space<hbm>> -> memref<8192x32xf32, #tpu.memory_space<hbm>>
      tpu.enqueue_indirect_dma source(%dma_start3A_18 : memref<8192x32xf32, #tpu.memory_space<hbm>>) target(%dma_start3A_13 : memref<128x32xf32, #tpu.memory_space<vmem>>) offsets(%dma_start3A_15 : memref<128xi32, #tpu.memory_space<vmem>>) semaphore(%arg7 : memref<!tpu.dma_semaphore, #tpu.memory_space<semaphore_mem>>)
      %dma_start3A_19 = arith.constant 128 : i32
      %dma_start3A_20 = arith.constant 0 : i32
      %dma_start3A_21 = tpu.memref_slice %arg6[%dma_start3A_19, %dma_start3A_20] : memref<1024x32xf32, #tpu.memory_space<vmem>> -> memref<128x32xf32, #tpu.memory_space<vmem>>
      %dma_start3A_22 = arith.constant 128 : i32
      %dma_start3A_23 = tpu.memref_slice %arg5[%dma_start3A_22] : memref<1024xi32, #tpu.memory_space<vmem>> -> memref<128xi32, #tpu.memory_space<vmem>>
      %dma_start3A_24 = arith.constant 0 : i32
      %dma_start3A_25 = arith.constant 0 : i32
      %dma_start3A_26 = tpu.memref_slice %arg2[%dma_start3A_24, %dma_start3A_25] : memref<8192x32xf32, #tpu.memory_space<hbm>> -> memref<8192x32xf32, #tpu.memory_space<hbm>>
      tpu.enqueue_indirect_dma source(%dma_start3A_26 : memref<8192x32xf32, #tpu.memory_space<hbm>>) target(%dma_start3A_21 : memref<128x32xf32, #tpu.memory_space<vmem>>) offsets(%dma_start3A_23 : memref<128xi32, #tpu.memory_space<vmem>>) semaphore(%arg7 : memref<!tpu.dma_semaphore, #tpu.memory_space<semaphore_mem>>)
      %dma_start3A_27 = arith.constant 256 : i32
      %dma_start3A_28 = arith.constant 0 : i32
      %dma_start3A_29 = tpu.memref_slice %arg6[%dma_start3A_27, %dma_start3A_28] : memref<1024x32xf32, #tpu.memory_space<vmem>> -> memref<128x32xf32, #tpu.memory_space<vmem>>
      %dma_start3A_30 = arith.constant 256 : i32
      %dma_start3A_31 = tpu.memref_slice %arg5[%dma_start3A_30] : memref<1024xi32, #tpu.memory_space<vmem>> -> memref<128xi32, #tpu.memory_space<vmem>>
      %dma_start3A_32 = arith.constant 0 : i32
      %dma_start3A_33 = arith.constant 0 : i32
      %dma_start3A_34 = tpu.memref_slice %arg2[%dma_start3A_32, %dma_start3A_33] : memref<8192x32xf32, #tpu.memory_space<hbm>> -> memref<8192x32xf32, #tpu.memory_space<hbm>>
      tpu.enqueue_indirect_dma source(%dma_start3A_34 : memref<8192x32xf32, #tpu.memory_space<hbm>>) target(%dma_start3A_29 : memref<128x32xf32, #tpu.memory_space<vmem>>) offsets(%dma_start3A_31 : memref<128xi32, #tpu.memory_space<vmem>>) semaphore(%arg7 : memref<!tpu.dma_semaphore, #tpu.memory_space<semaphore_mem>>)
      %dma_start3A_35 = arith.constant 384 : i32
      %dma_start3A_36 = arith.constant 0 : i32
      %dma_start3A_37 = tpu.memref_slice %arg6[%dma_start3A_35, %dma_start3A_36] : memref<1024x32xf32, #tpu.memory_space<vmem>> -> memref<128x32xf32, #tpu.memory_space<vmem>>
      %dma_start3A_38 = arith.constant 384 : i32
      %dma_start3A_39 = tpu.memref_slice %arg5[%dma_start3A_38] : memref<1024xi32, #tpu.memory_space<vmem>> -> memref<128xi32, #tpu.memory_space<vmem>>
      %dma_start3A_40 = arith.constant 0 : i32
      %dma_start3A_41 = arith.constant 0 : i32
      %dma_start3A_42 = tpu.memref_slice %arg2[%dma_start3A_40, %dma_start3A_41] : memref<8192x32xf32, #tpu.memory_space<hbm>> -> memref<8192x32xf32, #tpu.memory_space<hbm>>
      tpu.enqueue_indirect_dma source(%dma_start3A_42 : memref<8192x32xf32, #tpu.memory_space<hbm>>) target(%dma_start3A_37 : memref<128x32xf32, #tpu.memory_space<vmem>>) offsets(%dma_start3A_39 : memref<128xi32, #tpu.memory_space<vmem>>) semaphore(%arg7 : memref<!tpu.dma_semaphore, #tpu.memory_space<semaphore_mem>>)
      %dma_start3A_43 = arith.constant 512 : i32
      %dma_start3A_44 = arith.constant 0 : i32
      %dma_start3A_45 = tpu.memref_slice %arg6[%dma_start3A_43, %dma_start3A_44] : memref<1024x32xf32, #tpu.memory_space<vmem>> -> memref<128x32xf32, #tpu.memory_space<vmem>>
      %dma_start3A_46 = arith.constant 512 : i32
      %dma_start3A_47 = tpu.memref_slice %arg5[%dma_start3A_46] : memref<1024xi32, #tpu.memory_space<vmem>> -> memref<128xi32, #tpu.memory_space<vmem>>
      %dma_start3A_48 = arith.constant 0 : i32
      %dma_start3A_49 = arith.constant 0 : i32
      %dma_start3A_50 = tpu.memref_slice %arg2[%dma_start3A_48, %dma_start3A_49] : memref<8192x32xf32, #tpu.memory_space<hbm>> -> memref<8192x32xf32, #tpu.memory_space<hbm>>
      tpu.enqueue_indirect_dma source(%dma_start3A_50 : memref<8192x32xf32, #tpu.memory_space<hbm>>) target(%dma_start3A_45 : memref<128x32xf32, #tpu.memory_space<vmem>>) offsets(%dma_start3A_47 : memref<128xi32, #tpu.memory_space<vmem>>) semaphore(%arg7 : memref<!tpu.dma_semaphore, #tpu.memory_space<semaphore_mem>>)
      %dma_start3A_51 = arith.constant 640 : i32
      %dma_start3A_52 = arith.constant 0 : i32
      %dma_start3A_53 = tpu.memref_slice %arg6[%dma_start3A_51, %dma_start3A_52] : memref<1024x32xf32, #tpu.memory_space<vmem>> -> memref<128x32xf32, #tpu.memory_space<vmem>>
      %dma_start3A_54 = arith.constant 640 : i32
      %dma_start3A_55 = tpu.memref_slice %arg5[%dma_start3A_54] : memref<1024xi32, #tpu.memory_space<vmem>> -> memref<128xi32, #tpu.memory_space<vmem>>
      %dma_start3A_56 = arith.constant 0 : i32
      %dma_start3A_57 = arith.constant 0 : i32
      %dma_start3A_58 = tpu.memref_slice %arg2[%dma_start3A_56, %dma_start3A_57] : memref<8192x32xf32, #tpu.memory_space<hbm>> -> memref<8192x32xf32, #tpu.memory_space<hbm>>
      tpu.enqueue_indirect_dma source(%dma_start3A_58 : memref<8192x32xf32, #tpu.memory_space<hbm>>) target(%dma_start3A_53 : memref<128x32xf32, #tpu.memory_space<vmem>>) offsets(%dma_start3A_55 : memref<128xi32, #tpu.memory_space<vmem>>) semaphore(%arg7 : memref<!tpu.dma_semaphore, #tpu.memory_space<semaphore_mem>>)
      %dma_start3A_59 = arith.constant 768 : i32
      %dma_start3A_60 = arith.constant 0 : i32
      %dma_start3A_61 = tpu.memref_slice %arg6[%dma_start3A_59, %dma_start3A_60] : memref<1024x32xf32, #tpu.memory_space<vmem>> -> memref<128x32xf32, #tpu.memory_space<vmem>>
      %dma_start3A_62 = arith.constant 768 : i32
      %dma_start3A_63 = tpu.memref_slice %arg5[%dma_start3A_62] : memref<1024xi32, #tpu.memory_space<vmem>> -> memref<128xi32, #tpu.memory_space<vmem>>
      %dma_start3A_64 = arith.constant 0 : i32
      %dma_start3A_65 = arith.constant 0 : i32
      %dma_start3A_66 = tpu.memref_slice %arg2[%dma_start3A_64, %dma_start3A_65] : memref<8192x32xf32, #tpu.memory_space<hbm>> -> memref<8192x32xf32, #tpu.memory_space<hbm>>
      tpu.enqueue_indirect_dma source(%dma_start3A_66 : memref<8192x32xf32, #tpu.memory_space<hbm>>) target(%dma_start3A_61 : memref<128x32xf32, #tpu.memory_space<vmem>>) offsets(%dma_start3A_63 : memref<128xi32, #tpu.memory_space<vmem>>) semaphore(%arg7 : memref<!tpu.dma_semaphore, #tpu.memory_space<semaphore_mem>>)
      %dma_start3A_67 = arith.constant 896 : i32
      %dma_start3A_68 = arith.constant 0 : i32
      %dma_start3A_69 = tpu.memref_slice %arg6[%dma_start3A_67, %dma_start3A_68] : memref<1024x32xf32, #tpu.memory_space<vmem>> -> memref<128x32xf32, #tpu.memory_space<vmem>>
      %dma_start3A_70 = arith.constant 896 : i32
      %dma_start3A_71 = tpu.memref_slice %arg5[%dma_start3A_70] : memref<1024xi32, #tpu.memory_space<vmem>> -> memref<128xi32, #tpu.memory_space<vmem>>
      %dma_start3A_72 = arith.constant 0 : i32
      %dma_start3A_73 = arith.constant 0 : i32
      %dma_start3A_74 = tpu.memref_slice %arg2[%dma_start3A_72, %dma_start3A_73] : memref<8192x32xf32, #tpu.memory_space<hbm>> -> memref<8192x32xf32, #tpu.memory_space<hbm>>
      tpu.enqueue_indirect_dma source(%dma_start3A_74 : memref<8192x32xf32, #tpu.memory_space<hbm>>) target(%dma_start3A_69 : memref<128x32xf32, #tpu.memory_space<vmem>>) offsets(%dma_start3A_71 : memref<128xi32, #tpu.memory_space<vmem>>) semaphore(%arg7 : memref<!tpu.dma_semaphore, #tpu.memory_space<semaphore_mem>>)
      %dma_wait3A = arith.constant 0 : i32
      %dma_wait3A_75 = arith.constant 0 : i32
      %dma_wait3A_76 = tpu.memref_slice %arg6[%dma_wait3A, %dma_wait3A_75] : memref<1024x32xf32, #tpu.memory_space<vmem>> -> memref<128x32xf32, #tpu.memory_space<vmem>>
      %dma_wait3A_77 = arith.constant 0 : i32
      %dma_wait3A_78 = tpu.memref_slice %arg5[%dma_wait3A_77] : memref<1024xi32, #tpu.memory_space<vmem>> -> memref<128xi32, #tpu.memory_space<vmem>>
      %dma_wait3A_79 = arith.constant 0 : i32
      %dma_wait3A_80 = arith.constant 0 : i32
      %dma_wait3A_81 = tpu.memref_slice %arg2[%dma_wait3A_79, %dma_wait3A_80] : memref<8192x32xf32, #tpu.memory_space<hbm>> -> memref<8192x32xf32, #tpu.memory_space<hbm>>
      tpu.wait_indirect_dma semaphore(%arg7 : memref<!tpu.dma_semaphore, #tpu.memory_space<semaphore_mem>>) src(%dma_wait3A_81 : memref<8192x32xf32, #tpu.memory_space<hbm>>) dst(%dma_wait3A_76 : memref<128x32xf32, #tpu.memory_space<vmem>>)
      %dma_wait3A_82 = arith.constant 128 : i32
      %dma_wait3A_83 = arith.constant 0 : i32
      %dma_wait3A_84 = tpu.memref_slice %arg6[%dma_wait3A_82, %dma_wait3A_83] : memref<1024x32xf32, #tpu.memory_space<vmem>> -> memref<128x32xf32, #tpu.memory_space<vmem>>
      %dma_wait3A_85 = arith.constant 128 : i32
      %dma_wait3A_86 = tpu.memref_slice %arg5[%dma_wait3A_85] : memref<1024xi32, #tpu.memory_space<vmem>> -> memref<128xi32, #tpu.memory_space<vmem>>
      %dma_wait3A_87 = arith.constant 0 : i32
      %dma_wait3A_88 = arith.constant 0 : i32
      %dma_wait3A_89 = tpu.memref_slice %arg2[%dma_wait3A_87, %dma_wait3A_88] : memref<8192x32xf32, #tpu.memory_space<hbm>> -> memref<8192x32xf32, #tpu.memory_space<hbm>>
      tpu.wait_indirect_dma semaphore(%arg7 : memref<!tpu.dma_semaphore, #tpu.memory_space<semaphore_mem>>) src(%dma_wait3A_89 : memref<8192x32xf32, #tpu.memory_space<hbm>>) dst(%dma_wait3A_84 : memref<128x32xf32, #tpu.memory_space<vmem>>)
      %dma_wait3A_90 = arith.constant 256 : i32
      %dma_wait3A_91 = arith.constant 0 : i32
      %dma_wait3A_92 = tpu.memref_slice %arg6[%dma_wait3A_90, %dma_wait3A_91] : memref<1024x32xf32, #tpu.memory_space<vmem>> -> memref<128x32xf32, #tpu.memory_space<vmem>>
      %dma_wait3A_93 = arith.constant 256 : i32
      %dma_wait3A_94 = tpu.memref_slice %arg5[%dma_wait3A_93] : memref<1024xi32, #tpu.memory_space<vmem>> -> memref<128xi32, #tpu.memory_space<vmem>>
      %dma_wait3A_95 = arith.constant 0 : i32
      %dma_wait3A_96 = arith.constant 0 : i32
      %dma_wait3A_97 = tpu.memref_slice %arg2[%dma_wait3A_95, %dma_wait3A_96] : memref<8192x32xf32, #tpu.memory_space<hbm>> -> memref<8192x32xf32, #tpu.memory_space<hbm>>
      tpu.wait_indirect_dma semaphore(%arg7 : memref<!tpu.dma_semaphore, #tpu.memory_space<semaphore_mem>>) src(%dma_wait3A_97 : memref<8192x32xf32, #tpu.memory_space<hbm>>) dst(%dma_wait3A_92 : memref<128x32xf32, #tpu.memory_space<vmem>>)
      %dma_wait3A_98 = arith.constant 384 : i32
      %dma_wait3A_99 = arith.constant 0 : i32
      %dma_wait3A_100 = tpu.memref_slice %arg6[%dma_wait3A_98, %dma_wait3A_99] : memref<1024x32xf32, #tpu.memory_space<vmem>> -> memref<128x32xf32, #tpu.memory_space<vmem>>
      %dma_wait3A_101 = arith.constant 384 : i32
      %dma_wait3A_102 = tpu.memref_slice %arg5[%dma_wait3A_101] : memref<1024xi32, #tpu.memory_space<vmem>> -> memref<128xi32, #tpu.memory_space<vmem>>
      %dma_wait3A_103 = arith.constant 0 : i32
      %dma_wait3A_104 = arith.constant 0 : i32
      %dma_wait3A_105 = tpu.memref_slice %arg2[%dma_wait3A_103, %dma_wait3A_104] : memref<8192x32xf32, #tpu.memory_space<hbm>> -> memref<8192x32xf32, #tpu.memory_space<hbm>>
      tpu.wait_indirect_dma semaphore(%arg7 : memref<!tpu.dma_semaphore, #tpu.memory_space<semaphore_mem>>) src(%dma_wait3A_105 : memref<8192x32xf32, #tpu.memory_space<hbm>>) dst(%dma_wait3A_100 : memref<128x32xf32, #tpu.memory_space<vmem>>)
      %dma_wait3A_106 = arith.constant 512 : i32
      %dma_wait3A_107 = arith.constant 0 : i32
      %dma_wait3A_108 = tpu.memref_slice %arg6[%dma_wait3A_106, %dma_wait3A_107] : memref<1024x32xf32, #tpu.memory_space<vmem>> -> memref<128x32xf32, #tpu.memory_space<vmem>>
      %dma_wait3A_109 = arith.constant 512 : i32
      %dma_wait3A_110 = tpu.memref_slice %arg5[%dma_wait3A_109] : memref<1024xi32, #tpu.memory_space<vmem>> -> memref<128xi32, #tpu.memory_space<vmem>>
      %dma_wait3A_111 = arith.constant 0 : i32
      %dma_wait3A_112 = arith.constant 0 : i32
      %dma_wait3A_113 = tpu.memref_slice %arg2[%dma_wait3A_111, %dma_wait3A_112] : memref<8192x32xf32, #tpu.memory_space<hbm>> -> memref<8192x32xf32, #tpu.memory_space<hbm>>
      tpu.wait_indirect_dma semaphore(%arg7 : memref<!tpu.dma_semaphore, #tpu.memory_space<semaphore_mem>>) src(%dma_wait3A_113 : memref<8192x32xf32, #tpu.memory_space<hbm>>) dst(%dma_wait3A_108 : memref<128x32xf32, #tpu.memory_space<vmem>>)
      %dma_wait3A_114 = arith.constant 640 : i32
      %dma_wait3A_115 = arith.constant 0 : i32
      %dma_wait3A_116 = tpu.memref_slice %arg6[%dma_wait3A_114, %dma_wait3A_115] : memref<1024x32xf32, #tpu.memory_space<vmem>> -> memref<128x32xf32, #tpu.memory_space<vmem>>
      %dma_wait3A_117 = arith.constant 640 : i32
      %dma_wait3A_118 = tpu.memref_slice %arg5[%dma_wait3A_117] : memref<1024xi32, #tpu.memory_space<vmem>> -> memref<128xi32, #tpu.memory_space<vmem>>
      %dma_wait3A_119 = arith.constant 0 : i32
      %dma_wait3A_120 = arith.constant 0 : i32
      %dma_wait3A_121 = tpu.memref_slice %arg2[%dma_wait3A_119, %dma_wait3A_120] : memref<8192x32xf32, #tpu.memory_space<hbm>> -> memref<8192x32xf32, #tpu.memory_space<hbm>>
      tpu.wait_indirect_dma semaphore(%arg7 : memref<!tpu.dma_semaphore, #tpu.memory_space<semaphore_mem>>) src(%dma_wait3A_121 : memref<8192x32xf32, #tpu.memory_space<hbm>>) dst(%dma_wait3A_116 : memref<128x32xf32, #tpu.memory_space<vmem>>)
      %dma_wait3A_122 = arith.constant 768 : i32
      %dma_wait3A_123 = arith.constant 0 : i32
      %dma_wait3A_124 = tpu.memref_slice %arg6[%dma_wait3A_122, %dma_wait3A_123] : memref<1024x32xf32, #tpu.memory_space<vmem>> -> memref<128x32xf32, #tpu.memory_space<vmem>>
      %dma_wait3A_125 = arith.constant 768 : i32
      %dma_wait3A_126 = tpu.memref_slice %arg5[%dma_wait3A_125] : memref<1024xi32, #tpu.memory_space<vmem>> -> memref<128xi32, #tpu.memory_space<vmem>>
      %dma_wait3A_127 = arith.constant 0 : i32
      %dma_wait3A_128 = arith.constant 0 : i32
      %dma_wait3A_129 = tpu.memref_slice %arg2[%dma_wait3A_127, %dma_wait3A_128] : memref<8192x32xf32, #tpu.memory_space<hbm>> -> memref<8192x32xf32, #tpu.memory_space<hbm>>
      tpu.wait_indirect_dma semaphore(%arg7 : memref<!tpu.dma_semaphore, #tpu.memory_space<semaphore_mem>>) src(%dma_wait3A_129 : memref<8192x32xf32, #tpu.memory_space<hbm>>) dst(%dma_wait3A_124 : memref<128x32xf32, #tpu.memory_space<vmem>>)
      %dma_wait3A_130 = arith.constant 896 : i32
      %dma_wait3A_131 = arith.constant 0 : i32
      %dma_wait3A_132 = tpu.memref_slice %arg6[%dma_wait3A_130, %dma_wait3A_131] : memref<1024x32xf32, #tpu.memory_space<vmem>> -> memref<128x32xf32, #tpu.memory_space<vmem>>
      %dma_wait3A_133 = arith.constant 896 : i32
      %dma_wait3A_134 = tpu.memref_slice %arg5[%dma_wait3A_133] : memref<1024xi32, #tpu.memory_space<vmem>> -> memref<128xi32, #tpu.memory_space<vmem>>
      %dma_wait3A_135 = arith.constant 0 : i32
      %dma_wait3A_136 = arith.constant 0 : i32
      %dma_wait3A_137 = tpu.memref_slice %arg2[%dma_wait3A_135, %dma_wait3A_136] : memref<8192x32xf32, #tpu.memory_space<hbm>> -> memref<8192x32xf32, #tpu.memory_space<hbm>>
      tpu.wait_indirect_dma semaphore(%arg7 : memref<!tpu.dma_semaphore, #tpu.memory_space<semaphore_mem>>) src(%dma_wait3A_137 : memref<8192x32xf32, #tpu.memory_space<hbm>>) dst(%dma_wait3A_132 : memref<128x32xf32, #tpu.memory_space<vmem>>)
      "tpu.region"() ({
        %run_scoped3A = tpu.sem_alloc : memref<!tpu.dma_semaphore, #tpu.memory_space<semaphore_mem>>
        %dma_start3A_138 = arith.constant 0 : i32
        %dma_start3A_139 = tpu.memref_slice %arg4[%add3A_11, %dma_start3A_138] : memref<131072x32xf32, #tpu.memory_space<hbm>> -> memref<1024x32xf32, #tpu.memory_space<hbm>>
        %dma_start3A_140 = arith.constant 0 : i32
        %dma_start3A_141 = tpu.memref_slice %arg4[%add3A_11, %dma_start3A_140] : memref<131072x32xf32, #tpu.memory_space<hbm>> -> memref<1024x32xf32, #tpu.memory_space<hbm>>
        tpu.enqueue_dma source(%arg6 : memref<1024x32xf32, #tpu.memory_space<vmem>>) target(%dma_start3A_141 : memref<1024x32xf32, #tpu.memory_space<hbm>>) target_semaphore(%run_scoped3A : memref<!tpu.dma_semaphore, #tpu.memory_space<semaphore_mem>>)
        %dma_wait3A_142 = arith.constant 0 : i32
        %dma_wait3A_143 = tpu.memref_slice %arg4[%add3A_11, %dma_wait3A_142] : memref<131072x32xf32, #tpu.memory_space<hbm>> -> memref<1024x32xf32, #tpu.memory_space<hbm>>
        %dma_wait3A_144 = arith.constant 0 : i32
        %dma_wait3A_145 = tpu.memref_slice %arg4[%add3A_11, %dma_wait3A_144] : memref<131072x32xf32, #tpu.memory_space<hbm>> -> memref<1024x32xf32, #tpu.memory_space<hbm>>
        tpu.wait_dma2 semaphore(%run_scoped3A : memref<!tpu.dma_semaphore, #tpu.memory_space<semaphore_mem>>) src(%arg6 : memref<1024x32xf32, #tpu.memory_space<vmem>>) dst(%dma_wait3A_145 : memref<1024x32xf32, #tpu.memory_space<hbm>>)
        tpu.yield
      }) : () -> ()
    }
    %scan3A_7 = arith.constant 4 : i32
    return
  }
}

module attributes {stable_mosaic.version = 14 : i64} {
  func.func @_tc_body(%arg0: i32, %arg1: memref<1024x256xf32, #tpu.memory_space<vmem>>, %arg2: memref<8x1024x32xf32, #tpu.memory_space<vmem>>, %arg3: memref<1024x8xi32, #tpu.memory_space<vmem>>, %arg4: memref<1x1xf32, #tpu.memory_space<smem>>, %arg5: memref<8x1024xf32, #tpu.memory_space<vmem>>) attributes {dimension_semantics = [#tpu.dimension_semantics<arbitrary>], iteration_bounds = array<i64: 16>, scalar_prefetch = 0 : i64, scratch_operands = 1 : i64, tpu.core_type = #tpu.core_type<tc>, window_params = [{transform_indices = @transform_0, window_bounds = array<i64: 1024, 256>}, {pipeline_mode = #tpu.pipeline_mode<synchronous>, transform_indices = @transform_1, window_bounds = array<i64: 8, 1024, 32>}, {transform_indices = @transform_2, window_bounds = array<i64: 1024, 8>}, {transform_indices = @transform_3, window_bounds = array<i64: 1, 1>}]} {
    %eq3A = arith.constant 0 : i32
    %eq3A_0 = arith.cmpi eq, %arg0, %eq3A : i32
    %convert_element_type3A = arith.extui %eq3A_0 : i1 to i32
    %cond3A = arith.constant 0 : i32
    %cond3A_1 = arith.cmpi ne, %convert_element_type3A, %cond3A : i32
    scf.if %cond3A_1 {
      %get3A_384 = arith.constant 0 : index
      %get3A_385 = arith.constant 0 : index
      %get3A_386 = arith.constant 0 : index
      %get3A_387 = vector.load %arg2[%get3A_384, %get3A_385, %get3A_386] : memref<8x1024x32xf32, #tpu.memory_space<vmem>>, vector<8x1024x32xf32>
      %get3A_388 = arith.constant 0 : index
      %get3A_389 = arith.constant 0 : index
      %get3A_390 = arith.constant 0 : index
      %get3A_391 = vector.load %arg2[%get3A_388, %get3A_389, %get3A_390] : memref<8x1024x32xf32, #tpu.memory_space<vmem>>, vector<8x1024x32xf32>
      %mul3A_392 = arith.mulf %get3A_387, %get3A_391 : vector<8x1024x32xf32>
      %reduce_sum3A_393 = arith.constant dense<0.000000e+00> : vector<8x1024xf32>
      %reduce_sum3A_394 = vector.multi_reduction <add>, %mul3A_392, %reduce_sum3A_393 [2] : vector<8x1024x32xf32> to vector<8x1024xf32>
      %swap3A_395 = arith.constant 0 : index
      %swap3A_396 = arith.constant 0 : index
      %swap3A_397 = vector.load %arg5[%swap3A_395, %swap3A_396] : memref<8x1024xf32, #tpu.memory_space<vmem>>, vector<8x1024xf32>
      tpu.vector_store %arg5[%swap3A_395, %swap3A_396], %reduce_sum3A_394 {strides = array<i32>} : memref<8x1024xf32, #tpu.memory_space<vmem>>, vector<8x1024xf32>,
    } else {
    }
    %iota3A = tpu.iota {dimensions = array<i32: 1>} : vector<1024x1024xi32>
    %convert_element_type3A_2 = arith.sitofp %iota3A : vector<1024x1024xi32> to vector<1024x1024xf32>
    %get3A = arith.constant 0 : index
    %get3A_3 = arith.constant 0 : index
    %get3A_4 = vector.load %arg1[%get3A, %get3A_3] : memref<1024x256xf32, #tpu.memory_space<vmem>>, vector<1024x32xf32>
    %get3A_5 = arith.constant 0 : index
    %get3A_6 = arith.constant 0 : index
    %get3A_7 = arith.constant 0 : index
    %get3A_8 = vector.load %arg2[%get3A_5, %get3A_6, %get3A_7] : memref<8x1024x32xf32, #tpu.memory_space<vmem>>, vector<1x1024x32xf32>
    %get3A_9 = vector.shape_cast %get3A_8 : vector<1x1024x32xf32> to vector<1024x32xf32>
    %mul3A = arith.constant -2.000000e+00 : f32
    %mul3A_10 = vector.broadcast %mul3A : f32 to vector<1024x32xf32>
    %mul3A_11 = arith.mulf %get3A_4, %mul3A_10 : vector<1024x32xf32>
    %dot_general3A = arith.constant dense<0.000000e+00> : vector<1024x1024xf32>
    %dot_general3A_12 = tpu.matmul %mul3A_11, %get3A_9, %dot_general3A {dimension_numbers = #tpu.dot_dimension_numbers<[1], [1], [0], [0], [0, 0, 1, 0], [], []>, transpose_lhs_hint = false} : vector<1024x32xf32>, vector<1024x32xf32>, vector<1024x1024xf32> -> vector<1024x1024xf32>
    %mul3A_13 = arith.mulf %get3A_4, %get3A_4 : vector<1024x32xf32>
    %reduce_sum3A = arith.constant dense<0.000000e+00> : vector<1024xf32>
    %reduce_sum3A_14 = vector.multi_reduction <add>, %mul3A_13, %reduce_sum3A [1] : vector<1024x32xf32> to vector<1024xf32>
    %broadcast_in_dim3A = vector.shape_cast %reduce_sum3A_14 : vector<1024xf32> to vector<1024x1xf32>
    %get3A_15 = arith.constant 0 : index
    %get3A_16 = arith.constant 0 : index
    %get3A_17 = vector.load %arg5[%get3A_15, %get3A_16] : memref<8x1024xf32, #tpu.memory_space<vmem>>, vector<1x1024xf32>
    %get3A_18 = vector.shape_cast %get3A_17 : vector<1x1024xf32> to vector<1024xf32>
    %broadcast_in_dim3A_19 = vector.shape_cast %get3A_18 : vector<1024xf32> to vector<1x1024xf32>
    %add3A = vector.broadcast %broadcast_in_dim3A : vector<1024x1xf32> to vector<1024x1024xf32>
    %add3A_20 = vector.broadcast %broadcast_in_dim3A_19 : vector<1x1024xf32> to vector<1024x1024xf32>
    %add3A_21 = arith.addf %add3A, %add3A_20 : vector<1024x1024xf32>
    %add3A_22 = arith.addf %add3A_21, %dot_general3A_12 : vector<1024x1024xf32>
    %reduce_min3A = arith.constant dense<0x7F800000> : vector<1024xf32>
    %reduce_min3A_23 = vector.multi_reduction <minimumf>, %add3A_22, %reduce_min3A [1] : vector<1024x1024xf32> to vector<1024xf32>
    %broadcast_in_dim3A_24 = vector.shape_cast %reduce_min3A_23 : vector<1024xf32> to vector<1024x1xf32>
    %eq3A_25 = vector.broadcast %broadcast_in_dim3A_24 : vector<1024x1xf32> to vector<1024x1024xf32>
    %eq3A_26 = arith.cmpf oeq, %add3A_22, %eq3A_25 : vector<1024x1024xf32>
    %jit3A = arith.constant 1.024000e+03 : f32
    %broadcast_in_dim3A_27 = vector.broadcast %jit3A : f32 to vector<1024x1024xf32>
    %select_n3A = arith.select %eq3A_26, %convert_element_type3A_2, %broadcast_in_dim3A_27 : vector<1024x1024xi1>, vector<1024x1024xf32>
    %reduce_min3A_28 = arith.constant dense<0x7F800000> : vector<1024xf32>
    %reduce_min3A_29 = vector.multi_reduction <minimumf>, %select_n3A, %reduce_min3A_28 [1] : vector<1024x1024xf32> to vector<1024xf32>
    %convert_element_type3A_30 = arith.fptosi %reduce_min3A_29 : vector<1024xf32> to vector<1024xi32>
    %add3A_31 = arith.constant 0 : i32
    %add3A_32 = vector.broadcast %add3A_31 : i32 to vector<1024xi32>
    %add3A_33 = arith.addi %convert_element_type3A_30, %add3A_32 : vector<1024xi32>
    %broadcast_in_dim3A_34 = vector.shape_cast %add3A_33 : vector<1024xi32> to vector<1024x1xi32>
    %reduce_sum3A_35 = vector.shape_cast %broadcast_in_dim3A_24 : vector<1024x1xf32> to vector<1x1024x1xf32>
    %reduce_sum3A_36 = arith.constant dense<0.000000e+00> : vector<1xf32>
    %reduce_sum3A_37 = vector.multi_reduction <add>, %reduce_sum3A_35, %reduce_sum3A_36 [1, 2] : vector<1x1024x1xf32> to vector<1xf32>
    %reduce_sum3A_38 = vector.shape_cast %reduce_sum3A_37 : vector<1xf32> to vector<1x1x1xf32>
    %reduce_sum3A_39 = vector.extract %reduce_sum3A_38[0, 0, 0] : f32 from vector<1x1x1xf32>
    %add3A_40 = arith.constant 0.000000e+00 : f32
    %add3A_41 = arith.addf %add3A_40, %reduce_sum3A_39 : f32
    %get3A_42 = arith.constant 0 : index
    %get3A_43 = arith.constant 32 : index
    %get3A_44 = vector.load %arg1[%get3A_42, %get3A_43] : memref<1024x256xf32, #tpu.memory_space<vmem>>, vector<1024x32xf32>
    %get3A_45 = arith.constant 1 : index
    %get3A_46 = arith.constant 0 : index
    %get3A_47 = arith.constant 0 : index
    %get3A_48 = vector.load %arg2[%get3A_45, %get3A_46, %get3A_47] : memref<8x1024x32xf32, #tpu.memory_space<vmem>>, vector<1x1024x32xf32>
    %get3A_49 = vector.shape_cast %get3A_48 : vector<1x1024x32xf32> to vector<1024x32xf32>
    %mul3A_50 = arith.constant -2.000000e+00 : f32
    %mul3A_51 = vector.broadcast %mul3A_50 : f32 to vector<1024x32xf32>
    %mul3A_52 = arith.mulf %get3A_44, %mul3A_51 : vector<1024x32xf32>
    %dot_general3A_53 = arith.constant dense<0.000000e+00> : vector<1024x1024xf32>
    %dot_general3A_54 = tpu.matmul %mul3A_52, %get3A_49, %dot_general3A_53 {dimension_numbers = #tpu.dot_dimension_numbers<[1], [1], [0], [0], [0, 0, 1, 0], [], []>, transpose_lhs_hint = false} : vector<1024x32xf32>, vector<1024x32xf32>, vector<1024x1024xf32> -> vector<1024x1024xf32>
    %mul3A_55 = arith.mulf %get3A_44, %get3A_44 : vector<1024x32xf32>
    %reduce_sum3A_56 = arith.constant dense<0.000000e+00> : vector<1024xf32>
    %reduce_sum3A_57 = vector.multi_reduction <add>, %mul3A_55, %reduce_sum3A_56 [1] : vector<1024x32xf32> to vector<1024xf32>
    %broadcast_in_dim3A_58 = vector.shape_cast %reduce_sum3A_57 : vector<1024xf32> to vector<1024x1xf32>
    %get3A_59 = arith.constant 1 : index
    %get3A_60 = arith.constant 0 : index
    %get3A_61 = vector.load %arg5[%get3A_59, %get3A_60] : memref<8x1024xf32, #tpu.memory_space<vmem>>, vector<1x1024xf32>
    %get3A_62 = vector.shape_cast %get3A_61 : vector<1x1024xf32> to vector<1024xf32>
    %broadcast_in_dim3A_63 = vector.shape_cast %get3A_62 : vector<1024xf32> to vector<1x1024xf32>
    %add3A_64 = vector.broadcast %broadcast_in_dim3A_58 : vector<1024x1xf32> to vector<1024x1024xf32>
    %add3A_65 = vector.broadcast %broadcast_in_dim3A_63 : vector<1x1024xf32> to vector<1024x1024xf32>
    %add3A_66 = arith.addf %add3A_64, %add3A_65 : vector<1024x1024xf32>
    %add3A_67 = arith.addf %add3A_66, %dot_general3A_54 : vector<1024x1024xf32>
    %reduce_min3A_68 = arith.constant dense<0x7F800000> : vector<1024xf32>
    %reduce_min3A_69 = vector.multi_reduction <minimumf>, %add3A_67, %reduce_min3A_68 [1] : vector<1024x1024xf32> to vector<1024xf32>
    %broadcast_in_dim3A_70 = vector.shape_cast %reduce_min3A_69 : vector<1024xf32> to vector<1024x1xf32>
    %eq3A_71 = vector.broadcast %broadcast_in_dim3A_70 : vector<1024x1xf32> to vector<1024x1024xf32>
    %eq3A_72 = arith.cmpf oeq, %add3A_67, %eq3A_71 : vector<1024x1024xf32>
    %jit3A_73 = arith.constant 1.024000e+03 : f32
    %broadcast_in_dim3A_74 = vector.broadcast %jit3A_73 : f32 to vector<1024x1024xf32>
    %select_n3A_75 = arith.select %eq3A_72, %convert_element_type3A_2, %broadcast_in_dim3A_74 : vector<1024x1024xi1>, vector<1024x1024xf32>
    %reduce_min3A_76 = arith.constant dense<0x7F800000> : vector<1024xf32>
    %reduce_min3A_77 = vector.multi_reduction <minimumf>, %select_n3A_75, %reduce_min3A_76 [1] : vector<1024x1024xf32> to vector<1024xf32>
    %convert_element_type3A_78 = arith.fptosi %reduce_min3A_77 : vector<1024xf32> to vector<1024xi32>
    %add3A_79 = arith.constant 1024 : i32
    %add3A_80 = vector.broadcast %add3A_79 : i32 to vector<1024xi32>
    %add3A_81 = arith.addi %convert_element_type3A_78, %add3A_80 : vector<1024xi32>
    %broadcast_in_dim3A_82 = vector.shape_cast %add3A_81 : vector<1024xi32> to vector<1024x1xi32>
    %reduce_sum3A_83 = vector.shape_cast %broadcast_in_dim3A_70 : vector<1024x1xf32> to vector<1x1024x1xf32>
    %reduce_sum3A_84 = arith.constant dense<0.000000e+00> : vector<1xf32>
    %reduce_sum3A_85 = vector.multi_reduction <add>, %reduce_sum3A_83, %reduce_sum3A_84 [1, 2] : vector<1x1024x1xf32> to vector<1xf32>
    %reduce_sum3A_86 = vector.shape_cast %reduce_sum3A_85 : vector<1xf32> to vector<1x1x1xf32>
    %reduce_sum3A_87 = vector.extract %reduce_sum3A_86[0, 0, 0] : f32 from vector<1x1x1xf32>
    %add3A_88 = arith.addf %add3A_41, %reduce_sum3A_87 : f32
    %get3A_89 = arith.constant 0 : index
    %get3A_90 = arith.constant 64 : index
    %get3A_91 = vector.load %arg1[%get3A_89, %get3A_90] : memref<1024x256xf32, #tpu.memory_space<vmem>>, vector<1024x32xf32>
    %get3A_92 = arith.constant 2 : index
    %get3A_93 = arith.constant 0 : index
    %get3A_94 = arith.constant 0 : index
    %get3A_95 = vector.load %arg2[%get3A_92, %get3A_93, %get3A_94] : memref<8x1024x32xf32, #tpu.memory_space<vmem>>, vector<1x1024x32xf32>
    %get3A_96 = vector.shape_cast %get3A_95 : vector<1x1024x32xf32> to vector<1024x32xf32>
    %mul3A_97 = arith.constant -2.000000e+00 : f32
    %mul3A_98 = vector.broadcast %mul3A_97 : f32 to vector<1024x32xf32>
    %mul3A_99 = arith.mulf %get3A_91, %mul3A_98 : vector<1024x32xf32>
    %dot_general3A_100 = arith.constant dense<0.000000e+00> : vector<1024x1024xf32>
    %dot_general3A_101 = tpu.matmul %mul3A_99, %get3A_96, %dot_general3A_100 {dimension_numbers = #tpu.dot_dimension_numbers<[1], [1], [0], [0], [0, 0, 1, 0], [], []>, transpose_lhs_hint = false} : vector<1024x32xf32>, vector<1024x32xf32>, vector<1024x1024xf32> -> vector<1024x1024xf32>
    %mul3A_102 = arith.mulf %get3A_91, %get3A_91 : vector<1024x32xf32>
    %reduce_sum3A_103 = arith.constant dense<0.000000e+00> : vector<1024xf32>
    %reduce_sum3A_104 = vector.multi_reduction <add>, %mul3A_102, %reduce_sum3A_103 [1] : vector<1024x32xf32> to vector<1024xf32>
    %broadcast_in_dim3A_105 = vector.shape_cast %reduce_sum3A_104 : vector<1024xf32> to vector<1024x1xf32>
    %get3A_106 = arith.constant 2 : index
    %get3A_107 = arith.constant 0 : index
    %get3A_108 = vector.load %arg5[%get3A_106, %get3A_107] : memref<8x1024xf32, #tpu.memory_space<vmem>>, vector<1x1024xf32>
    %get3A_109 = vector.shape_cast %get3A_108 : vector<1x1024xf32> to vector<1024xf32>
    %broadcast_in_dim3A_110 = vector.shape_cast %get3A_109 : vector<1024xf32> to vector<1x1024xf32>
    %add3A_111 = vector.broadcast %broadcast_in_dim3A_105 : vector<1024x1xf32> to vector<1024x1024xf32>
    %add3A_112 = vector.broadcast %broadcast_in_dim3A_110 : vector<1x1024xf32> to vector<1024x1024xf32>
    %add3A_113 = arith.addf %add3A_111, %add3A_112 : vector<1024x1024xf32>
    %add3A_114 = arith.addf %add3A_113, %dot_general3A_101 : vector<1024x1024xf32>
    %reduce_min3A_115 = arith.constant dense<0x7F800000> : vector<1024xf32>
    %reduce_min3A_116 = vector.multi_reduction <minimumf>, %add3A_114, %reduce_min3A_115 [1] : vector<1024x1024xf32> to vector<1024xf32>
    %broadcast_in_dim3A_117 = vector.shape_cast %reduce_min3A_116 : vector<1024xf32> to vector<1024x1xf32>
    %eq3A_118 = vector.broadcast %broadcast_in_dim3A_117 : vector<1024x1xf32> to vector<1024x1024xf32>
    %eq3A_119 = arith.cmpf oeq, %add3A_114, %eq3A_118 : vector<1024x1024xf32>
    %jit3A_120 = arith.constant 1.024000e+03 : f32
    %broadcast_in_dim3A_121 = vector.broadcast %jit3A_120 : f32 to vector<1024x1024xf32>
    %select_n3A_122 = arith.select %eq3A_119, %convert_element_type3A_2, %broadcast_in_dim3A_121 : vector<1024x1024xi1>, vector<1024x1024xf32>
    %reduce_min3A_123 = arith.constant dense<0x7F800000> : vector<1024xf32>
    %reduce_min3A_124 = vector.multi_reduction <minimumf>, %select_n3A_122, %reduce_min3A_123 [1] : vector<1024x1024xf32> to vector<1024xf32>
    %convert_element_type3A_125 = arith.fptosi %reduce_min3A_124 : vector<1024xf32> to vector<1024xi32>
    %add3A_126 = arith.constant 2048 : i32
    %add3A_127 = vector.broadcast %add3A_126 : i32 to vector<1024xi32>
    %add3A_128 = arith.addi %convert_element_type3A_125, %add3A_127 : vector<1024xi32>
    %broadcast_in_dim3A_129 = vector.shape_cast %add3A_128 : vector<1024xi32> to vector<1024x1xi32>
    %reduce_sum3A_130 = vector.shape_cast %broadcast_in_dim3A_117 : vector<1024x1xf32> to vector<1x1024x1xf32>
    %reduce_sum3A_131 = arith.constant dense<0.000000e+00> : vector<1xf32>
    %reduce_sum3A_132 = vector.multi_reduction <add>, %reduce_sum3A_130, %reduce_sum3A_131 [1, 2] : vector<1x1024x1xf32> to vector<1xf32>
    %reduce_sum3A_133 = vector.shape_cast %reduce_sum3A_132 : vector<1xf32> to vector<1x1x1xf32>
    %reduce_sum3A_134 = vector.extract %reduce_sum3A_133[0, 0, 0] : f32 from vector<1x1x1xf32>
    %add3A_135 = arith.addf %add3A_88, %reduce_sum3A_134 : f32
    %get3A_136 = arith.constant 0 : index
    %get3A_137 = arith.constant 96 : index
    %get3A_138 = vector.load %arg1[%get3A_136, %get3A_137] : memref<1024x256xf32, #tpu.memory_space<vmem>>, vector<1024x32xf32>
    %get3A_139 = arith.constant 3 : index
    %get3A_140 = arith.constant 0 : index
    %get3A_141 = arith.constant 0 : index
    %get3A_142 = vector.load %arg2[%get3A_139, %get3A_140, %get3A_141] : memref<8x1024x32xf32, #tpu.memory_space<vmem>>, vector<1x1024x32xf32>
    %get3A_143 = vector.shape_cast %get3A_142 : vector<1x1024x32xf32> to vector<1024x32xf32>
    %mul3A_144 = arith.constant -2.000000e+00 : f32
    %mul3A_145 = vector.broadcast %mul3A_144 : f32 to vector<1024x32xf32>
    %mul3A_146 = arith.mulf %get3A_138, %mul3A_145 : vector<1024x32xf32>
    %dot_general3A_147 = arith.constant dense<0.000000e+00> : vector<1024x1024xf32>
    %dot_general3A_148 = tpu.matmul %mul3A_146, %get3A_143, %dot_general3A_147 {dimension_numbers = #tpu.dot_dimension_numbers<[1], [1], [0], [0], [0, 0, 1, 0], [], []>, transpose_lhs_hint = false} : vector<1024x32xf32>, vector<1024x32xf32>, vector<1024x1024xf32> -> vector<1024x1024xf32>
    %mul3A_149 = arith.mulf %get3A_138, %get3A_138 : vector<1024x32xf32>
    %reduce_sum3A_150 = arith.constant dense<0.000000e+00> : vector<1024xf32>
    %reduce_sum3A_151 = vector.multi_reduction <add>, %mul3A_149, %reduce_sum3A_150 [1] : vector<1024x32xf32> to vector<1024xf32>
    %broadcast_in_dim3A_152 = vector.shape_cast %reduce_sum3A_151 : vector<1024xf32> to vector<1024x1xf32>
    %get3A_153 = arith.constant 3 : index
    %get3A_154 = arith.constant 0 : index
    %get3A_155 = vector.load %arg5[%get3A_153, %get3A_154] : memref<8x1024xf32, #tpu.memory_space<vmem>>, vector<1x1024xf32>
    %get3A_156 = vector.shape_cast %get3A_155 : vector<1x1024xf32> to vector<1024xf32>
    %broadcast_in_dim3A_157 = vector.shape_cast %get3A_156 : vector<1024xf32> to vector<1x1024xf32>
    %add3A_158 = vector.broadcast %broadcast_in_dim3A_152 : vector<1024x1xf32> to vector<1024x1024xf32>
    %add3A_159 = vector.broadcast %broadcast_in_dim3A_157 : vector<1x1024xf32> to vector<1024x1024xf32>
    %add3A_160 = arith.addf %add3A_158, %add3A_159 : vector<1024x1024xf32>
    %add3A_161 = arith.addf %add3A_160, %dot_general3A_148 : vector<1024x1024xf32>
    %reduce_min3A_162 = arith.constant dense<0x7F800000> : vector<1024xf32>
    %reduce_min3A_163 = vector.multi_reduction <minimumf>, %add3A_161, %reduce_min3A_162 [1] : vector<1024x1024xf32> to vector<1024xf32>
    %broadcast_in_dim3A_164 = vector.shape_cast %reduce_min3A_163 : vector<1024xf32> to vector<1024x1xf32>
    %eq3A_165 = vector.broadcast %broadcast_in_dim3A_164 : vector<1024x1xf32> to vector<1024x1024xf32>
    %eq3A_166 = arith.cmpf oeq, %add3A_161, %eq3A_165 : vector<1024x1024xf32>
    %jit3A_167 = arith.constant 1.024000e+03 : f32
    %broadcast_in_dim3A_168 = vector.broadcast %jit3A_167 : f32 to vector<1024x1024xf32>
    %select_n3A_169 = arith.select %eq3A_166, %convert_element_type3A_2, %broadcast_in_dim3A_168 : vector<1024x1024xi1>, vector<1024x1024xf32>
    %reduce_min3A_170 = arith.constant dense<0x7F800000> : vector<1024xf32>
    %reduce_min3A_171 = vector.multi_reduction <minimumf>, %select_n3A_169, %reduce_min3A_170 [1] : vector<1024x1024xf32> to vector<1024xf32>
    %convert_element_type3A_172 = arith.fptosi %reduce_min3A_171 : vector<1024xf32> to vector<1024xi32>
    %add3A_173 = arith.constant 3072 : i32
    %add3A_174 = vector.broadcast %add3A_173 : i32 to vector<1024xi32>
    %add3A_175 = arith.addi %convert_element_type3A_172, %add3A_174 : vector<1024xi32>
    %broadcast_in_dim3A_176 = vector.shape_cast %add3A_175 : vector<1024xi32> to vector<1024x1xi32>
    %reduce_sum3A_177 = vector.shape_cast %broadcast_in_dim3A_164 : vector<1024x1xf32> to vector<1x1024x1xf32>
    %reduce_sum3A_178 = arith.constant dense<0.000000e+00> : vector<1xf32>
    %reduce_sum3A_179 = vector.multi_reduction <add>, %reduce_sum3A_177, %reduce_sum3A_178 [1, 2] : vector<1x1024x1xf32> to vector<1xf32>
    %reduce_sum3A_180 = vector.shape_cast %reduce_sum3A_179 : vector<1xf32> to vector<1x1x1xf32>
    %reduce_sum3A_181 = vector.extract %reduce_sum3A_180[0, 0, 0] : f32 from vector<1x1x1xf32>
    %add3A_182 = arith.addf %add3A_135, %reduce_sum3A_181 : f32
    %get3A_183 = arith.constant 0 : index
    %get3A_184 = arith.constant 128 : index
    %get3A_185 = vector.load %arg1[%get3A_183, %get3A_184] : memref<1024x256xf32, #tpu.memory_space<vmem>>, vector<1024x32xf32>
    %get3A_186 = arith.constant 4 : index
    %get3A_187 = arith.constant 0 : index
    %get3A_188 = arith.constant 0 : index
    %get3A_189 = vector.load %arg2[%get3A_186, %get3A_187, %get3A_188] : memref<8x1024x32xf32, #tpu.memory_space<vmem>>, vector<1x1024x32xf32>
    %get3A_190 = vector.shape_cast %get3A_189 : vector<1x1024x32xf32> to vector<1024x32xf32>
    %mul3A_191 = arith.constant -2.000000e+00 : f32
    %mul3A_192 = vector.broadcast %mul3A_191 : f32 to vector<1024x32xf32>
    %mul3A_193 = arith.mulf %get3A_185, %mul3A_192 : vector<1024x32xf32>
    %dot_general3A_194 = arith.constant dense<0.000000e+00> : vector<1024x1024xf32>
    %dot_general3A_195 = tpu.matmul %mul3A_193, %get3A_190, %dot_general3A_194 {dimension_numbers = #tpu.dot_dimension_numbers<[1], [1], [0], [0], [0, 0, 1, 0], [], []>, transpose_lhs_hint = false} : vector<1024x32xf32>, vector<1024x32xf32>, vector<1024x1024xf32> -> vector<1024x1024xf32>
    %mul3A_196 = arith.mulf %get3A_185, %get3A_185 : vector<1024x32xf32>
    %reduce_sum3A_197 = arith.constant dense<0.000000e+00> : vector<1024xf32>
    %reduce_sum3A_198 = vector.multi_reduction <add>, %mul3A_196, %reduce_sum3A_197 [1] : vector<1024x32xf32> to vector<1024xf32>
    %broadcast_in_dim3A_199 = vector.shape_cast %reduce_sum3A_198 : vector<1024xf32> to vector<1024x1xf32>
    %get3A_200 = arith.constant 4 : index
    %get3A_201 = arith.constant 0 : index
    %get3A_202 = vector.load %arg5[%get3A_200, %get3A_201] : memref<8x1024xf32, #tpu.memory_space<vmem>>, vector<1x1024xf32>
    %get3A_203 = vector.shape_cast %get3A_202 : vector<1x1024xf32> to vector<1024xf32>
    %broadcast_in_dim3A_204 = vector.shape_cast %get3A_203 : vector<1024xf32> to vector<1x1024xf32>
    %add3A_205 = vector.broadcast %broadcast_in_dim3A_199 : vector<1024x1xf32> to vector<1024x1024xf32>
    %add3A_206 = vector.broadcast %broadcast_in_dim3A_204 : vector<1x1024xf32> to vector<1024x1024xf32>
    %add3A_207 = arith.addf %add3A_205, %add3A_206 : vector<1024x1024xf32>
    %add3A_208 = arith.addf %add3A_207, %dot_general3A_195 : vector<1024x1024xf32>
    %reduce_min3A_209 = arith.constant dense<0x7F800000> : vector<1024xf32>
    %reduce_min3A_210 = vector.multi_reduction <minimumf>, %add3A_208, %reduce_min3A_209 [1] : vector<1024x1024xf32> to vector<1024xf32>
    %broadcast_in_dim3A_211 = vector.shape_cast %reduce_min3A_210 : vector<1024xf32> to vector<1024x1xf32>
    %eq3A_212 = vector.broadcast %broadcast_in_dim3A_211 : vector<1024x1xf32> to vector<1024x1024xf32>
    %eq3A_213 = arith.cmpf oeq, %add3A_208, %eq3A_212 : vector<1024x1024xf32>
    %jit3A_214 = arith.constant 1.024000e+03 : f32
    %broadcast_in_dim3A_215 = vector.broadcast %jit3A_214 : f32 to vector<1024x1024xf32>
    %select_n3A_216 = arith.select %eq3A_213, %convert_element_type3A_2, %broadcast_in_dim3A_215 : vector<1024x1024xi1>, vector<1024x1024xf32>
    %reduce_min3A_217 = arith.constant dense<0x7F800000> : vector<1024xf32>
    %reduce_min3A_218 = vector.multi_reduction <minimumf>, %select_n3A_216, %reduce_min3A_217 [1] : vector<1024x1024xf32> to vector<1024xf32>
    %convert_element_type3A_219 = arith.fptosi %reduce_min3A_218 : vector<1024xf32> to vector<1024xi32>
    %add3A_220 = arith.constant 4096 : i32
    %add3A_221 = vector.broadcast %add3A_220 : i32 to vector<1024xi32>
    %add3A_222 = arith.addi %convert_element_type3A_219, %add3A_221 : vector<1024xi32>
    %broadcast_in_dim3A_223 = vector.shape_cast %add3A_222 : vector<1024xi32> to vector<1024x1xi32>
    %reduce_sum3A_224 = vector.shape_cast %broadcast_in_dim3A_211 : vector<1024x1xf32> to vector<1x1024x1xf32>
    %reduce_sum3A_225 = arith.constant dense<0.000000e+00> : vector<1xf32>
    %reduce_sum3A_226 = vector.multi_reduction <add>, %reduce_sum3A_224, %reduce_sum3A_225 [1, 2] : vector<1x1024x1xf32> to vector<1xf32>
    %reduce_sum3A_227 = vector.shape_cast %reduce_sum3A_226 : vector<1xf32> to vector<1x1x1xf32>
    %reduce_sum3A_228 = vector.extract %reduce_sum3A_227[0, 0, 0] : f32 from vector<1x1x1xf32>
    %add3A_229 = arith.addf %add3A_182, %reduce_sum3A_228 : f32
    %get3A_230 = arith.constant 0 : index
    %get3A_231 = arith.constant 160 : index
    %get3A_232 = vector.load %arg1[%get3A_230, %get3A_231] : memref<1024x256xf32, #tpu.memory_space<vmem>>, vector<1024x32xf32>
    %get3A_233 = arith.constant 5 : index
    %get3A_234 = arith.constant 0 : index
    %get3A_235 = arith.constant 0 : index
    %get3A_236 = vector.load %arg2[%get3A_233, %get3A_234, %get3A_235] : memref<8x1024x32xf32, #tpu.memory_space<vmem>>, vector<1x1024x32xf32>
    %get3A_237 = vector.shape_cast %get3A_236 : vector<1x1024x32xf32> to vector<1024x32xf32>
    %mul3A_238 = arith.constant -2.000000e+00 : f32
    %mul3A_239 = vector.broadcast %mul3A_238 : f32 to vector<1024x32xf32>
    %mul3A_240 = arith.mulf %get3A_232, %mul3A_239 : vector<1024x32xf32>
    %dot_general3A_241 = arith.constant dense<0.000000e+00> : vector<1024x1024xf32>
    %dot_general3A_242 = tpu.matmul %mul3A_240, %get3A_237, %dot_general3A_241 {dimension_numbers = #tpu.dot_dimension_numbers<[1], [1], [0], [0], [0, 0, 1, 0], [], []>, transpose_lhs_hint = false} : vector<1024x32xf32>, vector<1024x32xf32>, vector<1024x1024xf32> -> vector<1024x1024xf32>
    %mul3A_243 = arith.mulf %get3A_232, %get3A_232 : vector<1024x32xf32>
    %reduce_sum3A_244 = arith.constant dense<0.000000e+00> : vector<1024xf32>
    %reduce_sum3A_245 = vector.multi_reduction <add>, %mul3A_243, %reduce_sum3A_244 [1] : vector<1024x32xf32> to vector<1024xf32>
    %broadcast_in_dim3A_246 = vector.shape_cast %reduce_sum3A_245 : vector<1024xf32> to vector<1024x1xf32>
    %get3A_247 = arith.constant 5 : index
    %get3A_248 = arith.constant 0 : index
    %get3A_249 = vector.load %arg5[%get3A_247, %get3A_248] : memref<8x1024xf32, #tpu.memory_space<vmem>>, vector<1x1024xf32>
    %get3A_250 = vector.shape_cast %get3A_249 : vector<1x1024xf32> to vector<1024xf32>
    %broadcast_in_dim3A_251 = vector.shape_cast %get3A_250 : vector<1024xf32> to vector<1x1024xf32>
    %add3A_252 = vector.broadcast %broadcast_in_dim3A_246 : vector<1024x1xf32> to vector<1024x1024xf32>
    %add3A_253 = vector.broadcast %broadcast_in_dim3A_251 : vector<1x1024xf32> to vector<1024x1024xf32>
    %add3A_254 = arith.addf %add3A_252, %add3A_253 : vector<1024x1024xf32>
    %add3A_255 = arith.addf %add3A_254, %dot_general3A_242 : vector<1024x1024xf32>
    %reduce_min3A_256 = arith.constant dense<0x7F800000> : vector<1024xf32>
    %reduce_min3A_257 = vector.multi_reduction <minimumf>, %add3A_255, %reduce_min3A_256 [1] : vector<1024x1024xf32> to vector<1024xf32>
    %broadcast_in_dim3A_258 = vector.shape_cast %reduce_min3A_257 : vector<1024xf32> to vector<1024x1xf32>
    %eq3A_259 = vector.broadcast %broadcast_in_dim3A_258 : vector<1024x1xf32> to vector<1024x1024xf32>
    %eq3A_260 = arith.cmpf oeq, %add3A_255, %eq3A_259 : vector<1024x1024xf32>
    %jit3A_261 = arith.constant 1.024000e+03 : f32
    %broadcast_in_dim3A_262 = vector.broadcast %jit3A_261 : f32 to vector<1024x1024xf32>
    %select_n3A_263 = arith.select %eq3A_260, %convert_element_type3A_2, %broadcast_in_dim3A_262 : vector<1024x1024xi1>, vector<1024x1024xf32>
    %reduce_min3A_264 = arith.constant dense<0x7F800000> : vector<1024xf32>
    %reduce_min3A_265 = vector.multi_reduction <minimumf>, %select_n3A_263, %reduce_min3A_264 [1] : vector<1024x1024xf32> to vector<1024xf32>
    %convert_element_type3A_266 = arith.fptosi %reduce_min3A_265 : vector<1024xf32> to vector<1024xi32>
    %add3A_267 = arith.constant 5120 : i32
    %add3A_268 = vector.broadcast %add3A_267 : i32 to vector<1024xi32>
    %add3A_269 = arith.addi %convert_element_type3A_266, %add3A_268 : vector<1024xi32>
    %broadcast_in_dim3A_270 = vector.shape_cast %add3A_269 : vector<1024xi32> to vector<1024x1xi32>
    %reduce_sum3A_271 = vector.shape_cast %broadcast_in_dim3A_258 : vector<1024x1xf32> to vector<1x1024x1xf32>
    %reduce_sum3A_272 = arith.constant dense<0.000000e+00> : vector<1xf32>
    %reduce_sum3A_273 = vector.multi_reduction <add>, %reduce_sum3A_271, %reduce_sum3A_272 [1, 2] : vector<1x1024x1xf32> to vector<1xf32>
    %reduce_sum3A_274 = vector.shape_cast %reduce_sum3A_273 : vector<1xf32> to vector<1x1x1xf32>
    %reduce_sum3A_275 = vector.extract %reduce_sum3A_274[0, 0, 0] : f32 from vector<1x1x1xf32>
    %add3A_276 = arith.addf %add3A_229, %reduce_sum3A_275 : f32
    %get3A_277 = arith.constant 0 : index
    %get3A_278 = arith.constant 192 : index
    %get3A_279 = vector.load %arg1[%get3A_277, %get3A_278] : memref<1024x256xf32, #tpu.memory_space<vmem>>, vector<1024x32xf32>
    %get3A_280 = arith.constant 6 : index
    %get3A_281 = arith.constant 0 : index
    %get3A_282 = arith.constant 0 : index
    %get3A_283 = vector.load %arg2[%get3A_280, %get3A_281, %get3A_282] : memref<8x1024x32xf32, #tpu.memory_space<vmem>>, vector<1x1024x32xf32>
    %get3A_284 = vector.shape_cast %get3A_283 : vector<1x1024x32xf32> to vector<1024x32xf32>
    %mul3A_285 = arith.constant -2.000000e+00 : f32
    %mul3A_286 = vector.broadcast %mul3A_285 : f32 to vector<1024x32xf32>
    %mul3A_287 = arith.mulf %get3A_279, %mul3A_286 : vector<1024x32xf32>
    %dot_general3A_288 = arith.constant dense<0.000000e+00> : vector<1024x1024xf32>
    %dot_general3A_289 = tpu.matmul %mul3A_287, %get3A_284, %dot_general3A_288 {dimension_numbers = #tpu.dot_dimension_numbers<[1], [1], [0], [0], [0, 0, 1, 0], [], []>, transpose_lhs_hint = false} : vector<1024x32xf32>, vector<1024x32xf32>, vector<1024x1024xf32> -> vector<1024x1024xf32>
    %mul3A_290 = arith.mulf %get3A_279, %get3A_279 : vector<1024x32xf32>
    %reduce_sum3A_291 = arith.constant dense<0.000000e+00> : vector<1024xf32>
    %reduce_sum3A_292 = vector.multi_reduction <add>, %mul3A_290, %reduce_sum3A_291 [1] : vector<1024x32xf32> to vector<1024xf32>
    %broadcast_in_dim3A_293 = vector.shape_cast %reduce_sum3A_292 : vector<1024xf32> to vector<1024x1xf32>
    %get3A_294 = arith.constant 6 : index
    %get3A_295 = arith.constant 0 : index
    %get3A_296 = vector.load %arg5[%get3A_294, %get3A_295] : memref<8x1024xf32, #tpu.memory_space<vmem>>, vector<1x1024xf32>
    %get3A_297 = vector.shape_cast %get3A_296 : vector<1x1024xf32> to vector<1024xf32>
    %broadcast_in_dim3A_298 = vector.shape_cast %get3A_297 : vector<1024xf32> to vector<1x1024xf32>
    %add3A_299 = vector.broadcast %broadcast_in_dim3A_293 : vector<1024x1xf32> to vector<1024x1024xf32>
    %add3A_300 = vector.broadcast %broadcast_in_dim3A_298 : vector<1x1024xf32> to vector<1024x1024xf32>
    %add3A_301 = arith.addf %add3A_299, %add3A_300 : vector<1024x1024xf32>
    %add3A_302 = arith.addf %add3A_301, %dot_general3A_289 : vector<1024x1024xf32>
    %reduce_min3A_303 = arith.constant dense<0x7F800000> : vector<1024xf32>
    %reduce_min3A_304 = vector.multi_reduction <minimumf>, %add3A_302, %reduce_min3A_303 [1] : vector<1024x1024xf32> to vector<1024xf32>
    %broadcast_in_dim3A_305 = vector.shape_cast %reduce_min3A_304 : vector<1024xf32> to vector<1024x1xf32>
    %eq3A_306 = vector.broadcast %broadcast_in_dim3A_305 : vector<1024x1xf32> to vector<1024x1024xf32>
    %eq3A_307 = arith.cmpf oeq, %add3A_302, %eq3A_306 : vector<1024x1024xf32>
    %jit3A_308 = arith.constant 1.024000e+03 : f32
    %broadcast_in_dim3A_309 = vector.broadcast %jit3A_308 : f32 to vector<1024x1024xf32>
    %select_n3A_310 = arith.select %eq3A_307, %convert_element_type3A_2, %broadcast_in_dim3A_309 : vector<1024x1024xi1>, vector<1024x1024xf32>
    %reduce_min3A_311 = arith.constant dense<0x7F800000> : vector<1024xf32>
    %reduce_min3A_312 = vector.multi_reduction <minimumf>, %select_n3A_310, %reduce_min3A_311 [1] : vector<1024x1024xf32> to vector<1024xf32>
    %convert_element_type3A_313 = arith.fptosi %reduce_min3A_312 : vector<1024xf32> to vector<1024xi32>
    %add3A_314 = arith.constant 6144 : i32
    %add3A_315 = vector.broadcast %add3A_314 : i32 to vector<1024xi32>
    %add3A_316 = arith.addi %convert_element_type3A_313, %add3A_315 : vector<1024xi32>
    %broadcast_in_dim3A_317 = vector.shape_cast %add3A_316 : vector<1024xi32> to vector<1024x1xi32>
    %reduce_sum3A_318 = vector.shape_cast %broadcast_in_dim3A_305 : vector<1024x1xf32> to vector<1x1024x1xf32>
    %reduce_sum3A_319 = arith.constant dense<0.000000e+00> : vector<1xf32>
    %reduce_sum3A_320 = vector.multi_reduction <add>, %reduce_sum3A_318, %reduce_sum3A_319 [1, 2] : vector<1x1024x1xf32> to vector<1xf32>
    %reduce_sum3A_321 = vector.shape_cast %reduce_sum3A_320 : vector<1xf32> to vector<1x1x1xf32>
    %reduce_sum3A_322 = vector.extract %reduce_sum3A_321[0, 0, 0] : f32 from vector<1x1x1xf32>
    %add3A_323 = arith.addf %add3A_276, %reduce_sum3A_322 : f32
    %get3A_324 = arith.constant 0 : index
    %get3A_325 = arith.constant 224 : index
    %get3A_326 = vector.load %arg1[%get3A_324, %get3A_325] : memref<1024x256xf32, #tpu.memory_space<vmem>>, vector<1024x32xf32>
    %get3A_327 = arith.constant 7 : index
    %get3A_328 = arith.constant 0 : index
    %get3A_329 = arith.constant 0 : index
    %get3A_330 = vector.load %arg2[%get3A_327, %get3A_328, %get3A_329] : memref<8x1024x32xf32, #tpu.memory_space<vmem>>, vector<1x1024x32xf32>
    %get3A_331 = vector.shape_cast %get3A_330 : vector<1x1024x32xf32> to vector<1024x32xf32>
    %mul3A_332 = arith.constant -2.000000e+00 : f32
    %mul3A_333 = vector.broadcast %mul3A_332 : f32 to vector<1024x32xf32>
    %mul3A_334 = arith.mulf %get3A_326, %mul3A_333 : vector<1024x32xf32>
    %dot_general3A_335 = arith.constant dense<0.000000e+00> : vector<1024x1024xf32>
    %dot_general3A_336 = tpu.matmul %mul3A_334, %get3A_331, %dot_general3A_335 {dimension_numbers = #tpu.dot_dimension_numbers<[1], [1], [0], [0], [0, 0, 1, 0], [], []>, transpose_lhs_hint = false} : vector<1024x32xf32>, vector<1024x32xf32>, vector<1024x1024xf32> -> vector<1024x1024xf32>
    %mul3A_337 = arith.mulf %get3A_326, %get3A_326 : vector<1024x32xf32>
    %reduce_sum3A_338 = arith.constant dense<0.000000e+00> : vector<1024xf32>
    %reduce_sum3A_339 = vector.multi_reduction <add>, %mul3A_337, %reduce_sum3A_338 [1] : vector<1024x32xf32> to vector<1024xf32>
    %broadcast_in_dim3A_340 = vector.shape_cast %reduce_sum3A_339 : vector<1024xf32> to vector<1024x1xf32>
    %get3A_341 = arith.constant 7 : index
    %get3A_342 = arith.constant 0 : index
    %get3A_343 = vector.load %arg5[%get3A_341, %get3A_342] : memref<8x1024xf32, #tpu.memory_space<vmem>>, vector<1x1024xf32>
    %get3A_344 = vector.shape_cast %get3A_343 : vector<1x1024xf32> to vector<1024xf32>
    %broadcast_in_dim3A_345 = vector.shape_cast %get3A_344 : vector<1024xf32> to vector<1x1024xf32>
    %add3A_346 = vector.broadcast %broadcast_in_dim3A_340 : vector<1024x1xf32> to vector<1024x1024xf32>
    %add3A_347 = vector.broadcast %broadcast_in_dim3A_345 : vector<1x1024xf32> to vector<1024x1024xf32>
    %add3A_348 = arith.addf %add3A_346, %add3A_347 : vector<1024x1024xf32>
    %add3A_349 = arith.addf %add3A_348, %dot_general3A_336 : vector<1024x1024xf32>
    %reduce_min3A_350 = arith.constant dense<0x7F800000> : vector<1024xf32>
    %reduce_min3A_351 = vector.multi_reduction <minimumf>, %add3A_349, %reduce_min3A_350 [1] : vector<1024x1024xf32> to vector<1024xf32>
    %broadcast_in_dim3A_352 = vector.shape_cast %reduce_min3A_351 : vector<1024xf32> to vector<1024x1xf32>
    %eq3A_353 = vector.broadcast %broadcast_in_dim3A_352 : vector<1024x1xf32> to vector<1024x1024xf32>
    %eq3A_354 = arith.cmpf oeq, %add3A_349, %eq3A_353 : vector<1024x1024xf32>
    %jit3A_355 = arith.constant 1.024000e+03 : f32
    %broadcast_in_dim3A_356 = vector.broadcast %jit3A_355 : f32 to vector<1024x1024xf32>
    %select_n3A_357 = arith.select %eq3A_354, %convert_element_type3A_2, %broadcast_in_dim3A_356 : vector<1024x1024xi1>, vector<1024x1024xf32>
    %reduce_min3A_358 = arith.constant dense<0x7F800000> : vector<1024xf32>
    %reduce_min3A_359 = vector.multi_reduction <minimumf>, %select_n3A_357, %reduce_min3A_358 [1] : vector<1024x1024xf32> to vector<1024xf32>
    %convert_element_type3A_360 = arith.fptosi %reduce_min3A_359 : vector<1024xf32> to vector<1024xi32>
    %add3A_361 = arith.constant 7168 : i32
    %add3A_362 = vector.broadcast %add3A_361 : i32 to vector<1024xi32>
    %add3A_363 = arith.addi %convert_element_type3A_360, %add3A_362 : vector<1024xi32>
    %broadcast_in_dim3A_364 = vector.shape_cast %add3A_363 : vector<1024xi32> to vector<1024x1xi32>
    %reduce_sum3A_365 = vector.shape_cast %broadcast_in_dim3A_352 : vector<1024x1xf32> to vector<1x1024x1xf32>
    %reduce_sum3A_366 = arith.constant dense<0.000000e+00> : vector<1xf32>
    %reduce_sum3A_367 = vector.multi_reduction <add>, %reduce_sum3A_365, %reduce_sum3A_366 [1, 2] : vector<1x1024x1xf32> to vector<1xf32>
    %reduce_sum3A_368 = vector.shape_cast %reduce_sum3A_367 : vector<1xf32> to vector<1x1x1xf32>
    %reduce_sum3A_369 = vector.extract %reduce_sum3A_368[0, 0, 0] : f32 from vector<1x1x1xf32>
    %add3A_370 = arith.addf %add3A_323, %reduce_sum3A_369 : f32
    %concatenate3A = tpu.concatenate %broadcast_in_dim3A_34, %broadcast_in_dim3A_82, %broadcast_in_dim3A_129, %broadcast_in_dim3A_176, %broadcast_in_dim3A_223, %broadcast_in_dim3A_270, %broadcast_in_dim3A_317, %broadcast_in_dim3A_364 in 1 : vector<1024x1xi32>, vector<1024x1xi32>, vector<1024x1xi32>, vector<1024x1xi32>, vector<1024x1xi32>, vector<1024x1xi32>, vector<1024x1xi32>, vector<1024x1xi32> -> vector<1024x8xi32>
    %swap3A = arith.constant 0 : index
    %swap3A_371 = arith.constant 0 : index
    %swap3A_372 = vector.load %arg3[%swap3A, %swap3A_371] : memref<1024x8xi32, #tpu.memory_space<vmem>>, vector<1024x8xi32>
    tpu.vector_store %arg3[%swap3A, %swap3A_371], %concatenate3A {strides = array<i32>} : memref<1024x8xi32, #tpu.memory_space<vmem>>, vector<1024x8xi32>,
    %eq3A_373 = arith.constant 0 : i32
    %eq3A_374 = arith.cmpi eq, %arg0, %eq3A_373 : i32
    %get3A_375 = arith.constant 0 : index
    %get3A_376 = arith.constant 0 : index
    %get3A_377 = memref.load %arg4[%get3A_375, %get3A_376] : memref<1x1xf32, #tpu.memory_space<smem>>
    %jit3A_378 = arith.constant 0.000000e+00 : f32
    %select_n3A_379 = arith.select %eq3A_374, %jit3A_378, %get3A_377 : f32
    %add3A_380 = arith.addf %select_n3A_379, %add3A_370 : f32
    %swap3A_381 = arith.constant 0 : index
    %swap3A_382 = arith.constant 0 : index
    %swap3A_383 = memref.load %arg4[%swap3A_381, %swap3A_382] : memref<1x1xf32, #tpu.memory_space<smem>>
    memref.store %add3A_380, %arg4[%swap3A_381, %swap3A_382] : memref<1x1xf32, #tpu.memory_space<smem>>
    return
  }
  func.func @transform_0(%arg0: i32) -> (i32, i32) {
    %add3A = arith.constant 0 : i32
    %add3A_0 = arith.addi %arg0, %add3A : i32
    %c0_i32 = arith.constant 0 : i32
    %c0_i32_1 = arith.constant 0 : i32
    return %add3A_0, %c0_i32 : i32, i32
  }
  func.func @transform_1(%arg0: i32) -> (i32, i32, i32) {
    %c0_i32 = arith.constant 0 : i32
    %c0_i32_0 = arith.constant 0 : i32
    %c0_i32_1 = arith.constant 0 : i32
    %c0_i32_2 = arith.constant 0 : i32
    return %c0_i32, %c0_i32_0, %c0_i32_1 : i32, i32, i32
  }
  func.func @transform_2(%arg0: i32) -> (i32, i32) {
    %c0_i32 = arith.constant 0 : i32
    %c0_i32_0 = arith.constant 0 : i32
    return %arg0, %c0_i32 : i32, i32
  }
  func.func @transform_3(%arg0: i32) -> (i32, i32) {
    %c0_i32 = arith.constant 0 : i32
    %c0_i32_0 = arith.constant 0 : i32
    %c0_i32_1 = arith.constant 0 : i32
    return %c0_i32, %c0_i32_0 : i32, i32
  }
}

</mosaic_0001>

<sc_bundles>
// kernel: kernel.4.cloned.1.call-start
scs
__scs_entry_jumppad:
0x0: {  	(pc) =	sbr.rel $0x88, $3  }
0x1: {  	(tag) =	ssettag $0x0;
	lr =	simm.s32 $0x1  }
0x2: {  	[smem:$0x3F9F] =	sst lr;
	_ =	strace $0xD0000000  }
0x3: {  	_ = 	snop  }
0x4: {  	_ = 	snop  }
0x5: {  	_ = 	snop  }
0x6: {  	_ = 	snop  }
0x7: {  	_ = 	snop  }
__scs_overlays_trampoline_lowered:
0x8: {  	[smem:$0x3FAE] =	sst s0  }
0x9: {  	[smem:$0x3FAF] =	sst s1  }
0xa: {  	[smem:$0x3FB0] =	sst s2  }
0xb: {  	[smem:$0x3FB1] =	sst s3  }
0xc: {  	[smem:$0x3FB2] =	sst s4  }
0xd: {  	[smem:$0x3FB3] =	sst s5  }
0xe: {  	[smem:$0x3FB4] =	sst s6  }
0xf: {  	[smem:$0x3FB5] =	sst s7  }
0x10: {  	[smem:$0x3FB6] =	sst s8  }
0x11: {  	[smem:$0x3FB7] =	sst s9;
	s0 =	simm.s32 @!p0 $0x0  }
0x12: {  	s1 =	sld [smem:$0x3F9D];
	s0 =	simm.s32 @p0 $0x1  }
0x13: {  	[smem:$0x3FB8] =	sst s0;
	s0 =	simm.s32 @!p1 $0x0  }
0x14: {  	s2 =	sld [smem:$0x3F9C];
	s0 =	simm.s32 @p1 $0x1  }
0x15: {  	[smem:$0x3FB9] =	sst s0;
	s0 =	simm.s32 @!p2 $0x0  }
0x16: {  	s3 =	sld [smem:$0x3FDB];
	s0 =	simm.s32 @p2 $0x1  }
0x17: {  	s4 =	simm.s32 $0x1BF5;
	[smem:$0x3FBB] =	sst s0  }
0x18: {  	s0 =	sld [smem:$0x3F9E];
	_ =	swait.ge [sflag:s4], $0x0  }
0x19: {  	s7 =	sld [smem:$0x3F9F]  }
0x1a: {  	s8 =	sadd.s32 $0xFFFFE003, lr  }
0x1b: {  	s9 =	sadd.s32 $0xFFFFFEF7, lr;
	s5 =	simm.s32 $0xFFFFFFFF;
	p2 =	slt.u32 s8, $0xFFFFF086  }
0x1c: {  	p1 =	slt.u32 s9, $0xF7A;
	s5 =	simm.s32 @!p2 $0x0  }
0x1d: {  	s5 =	simm.s32 @p1 $0x1;
	p0 =	seq.s32 s7, s2  }
0x1e: {  	s7 =	smul.u32 @!p0 $0xF7A, s2;
	p2 =	seq.s32 @!p0 s5, $0x0  }
0x1f: {  	s9 =	smul.u32 $0xF7A, s1;
	s8 =	simm.s32 @!p0 $0x1BF5;
	p2 =	por !p2, p0  }
0x20: {  	[sflag:s8] =	ssyncset.s32 @!p0 $0xFFFFF086;
	s6 =	sadd.s32 @!p0 s3, s7;
	s7 =	simm.s32 @!p0 $0x108  }
0x21: {  	s3 =	sadd.s32 s3, s9;
	s6 =	sadd.s32 @!p0 $0x88, s6;
	s7 =	simm.s32 @p2 $0x1082  }
0x22: {  	[simem:s7], [sflag:s8] =	dma.local @!p0 [hbm:s6], $0xF7A  }
0x23: {  	s9 =	sor.u32 $0xD0000000, s2;
	s6 =	simm.s32 $0x108;
	_ =	swait.ge @!p0 [sflag:s8], $0x0  }
0x24: {  	s3 =	sadd.s32 $0x88, s3;
	s6 =	simm.s32 @!p1 $0x1082;
	[sflag:s4] =	ssyncset.s32 $0xFFFFF086  }
0x25: {  	[simem:s6], [sflag:s4] =	dma.local [hbm:s3], $0xF7A  }
0x26: {  	[smem:$0x3F9F] =	sst s1;
	(tag) =	ssettag s2;
	_ =	strace s9  }
0x27: {  	s1 =	sld [smem:$0x3FAF]  }
0x28: {  	s2 =	sld [smem:$0x3FB0]  }
0x29: {  	s4 =	sld [smem:$0x3FB2]  }
0x2a: {  	p0 =	seq.s32 s5, $0x0;
	s5 =	sld [smem:$0x3FB3]  }
0x2b: {  	s6 =	sld [smem:$0x3FB4]  }
0x2c: {  	s7 =	sld [smem:$0x3FB5]  }
0x2d: {  	s3 =	simm.s32 $0x108;
	s8 =	sld [smem:$0x3FB6]  }
0x2e: {  	s3 =	simm.s32 @!p0 $0x1082;
	s9 =	sld [smem:$0x3FB7]  }
0x2f: {  	lr =	sadd.s32 s0, s3;
	s0 =	sld [smem:$0x3FAE]  }
0x30: {  	s3 =	sld [smem:$0x3FB1]  }
0x31: {  	[smem:$0x3FBA] =	sst s10  }
0x32: {  	s10 =	sld [smem:$0x3FB8];
	_ =	sdelay $0x3  }
0x33: {  	p0 =	seq.s32 s10, $0x1;
	s10 =	sld [smem:$0x3FBA];
	_ =	sdelay $0x3  }
0x34: {  	[smem:$0x3FBA] =	sst s10  }
0x35: {  	s10 =	sld [smem:$0x3FB9];
	_ =	sdelay $0x3  }
0x36: {  	p1 =	seq.s32 s10, $0x1;
	s10 =	sld [smem:$0x3FBA];
	_ =	sdelay $0x3  }
0x37: {  	[smem:$0x3FBA] =	sst s10  }
0x38: {  	s10 =	sld [smem:$0x3FBB]  }
0x39: {  	_ = 	snop;
	(pc) =	sbr.ind lr, $3  }
0x3a: {  	_ = 	snop  }
0x3b: {  	_ = 	snop  }
0x3c: {  	p2 =	seq.s32 s10, $0x1;
	s10 =	sld [smem:$0x3FBA]  }
0x3d: {  	_ =	shalt  }
0x3e: {  	_ =	shalt  }
0x3f: {  	_ =	shalt  }
0x40: {  	_ =	shalt  }
0x41: {  	_ =	shalt  }
0x42: {  	_ =	shalt  }
0x43: {  	_ =	shalt  }
0x44: {  	_ =	shalt  }
0x45: {  	_ =	shalt  }
0x46: {  	_ =	shalt  }
0x47: {  	_ =	shalt  }
0x48: {  	_ =	shalt  }
0x49: {  	_ =	shalt  }
0x4a: {  	_ =	shalt  }
0x4b: {  	_ =	shalt  }
0x4c: {  	_ =	shalt  }
0x4d: {  	_ =	shalt  }
0x4e: {  	_ =	shalt  }
0x4f: {  	_ =	shalt  }
0x50: {  	_ =	shalt  }
0x51: {  	_ =	shalt  }
0x52: {  	_ =	shalt  }
0x53: {  	_ =	shalt  }
0x54: {  	_ =	shalt  }
0x55: {  	_ =	shalt  }
0x56: {  	_ =	shalt  }
0x57: {  	_ =	shalt  }
0x58: {  	_ =	shalt  }
0x59: {  	_ =	shalt  }
0x5a: {  	_ =	shalt  }
0x5b: {  	_ =	shalt  }
0x5c: {  	_ =	shalt  }
0x5d: {  	_ =	shalt  }
0x5e: {  	_ =	shalt  }
0x5f: {  	_ =	shalt  }
0x60: {  	_ =	shalt  }
0x61: {  	_ =	shalt  }
0x62: {  	_ =	shalt  }
0x63: {  	_ =	shalt  }
0x64: {  	_ =	shalt  }
0x65: {  	_ =	shalt  }
0x66: {  	_ =	shalt  }
0x67: {  	_ =	shalt  }
0x68: {  	_ =	shalt  }
0x69: {  	_ =	shalt  }
0x6a: {  	_ =	shalt  }
0x6b: {  	_ =	shalt  }
0x6c: {  	_ =	shalt  }
0x6d: {  	_ =	shalt  }
0x6e: {  	_ =	shalt  }
0x6f: {  	_ =	shalt  }
0x70: {  	_ =	shalt  }
0x71: {  	_ =	shalt  }
0x72: {  	_ =	shalt  }
0x73: {  	_ =	shalt  }
0x74: {  	_ =	shalt  }
0x75: {  	_ =	shalt  }
0x76: {  	_ =	shalt  }
0x77: {  	_ =	shalt  }
0x78: {  	_ =	shalt  }
0x79: {  	_ =	shalt  }
0x7a: {  	_ =	shalt  }
0x7b: {  	_ =	shalt  }
0x7c: {  	_ =	shalt  }
0x7d: {  	_ =	shalt  }
0x7e: {  	_ =	shalt  }
0x7f: {  	_ =	shalt  }
0x80: {  	_ =	shalt  }
0x81: {  	_ =	shalt  }
0x82: {  	_ =	shalt  }
0x83: {  	_ =	shalt  }
0x84: {  	_ =	shalt  }
0x85: {  	_ =	shalt  }
0x86: {  	_ =	shalt  }
0x87: {  	_ =	shalt  }
.Lfunc_end0:
.L_simem_size_0:
called_computation_lowered:
.L_overlay_start_0:
0x88: {  	s2 =	sld [smem:$0x3FD9]  }
0x89: {  	s3 =	sld [smem:$0x3FFE];
	_ =	sdelay $0x1  }
0x8a: {  	s1 =	srdreg.scid  }
0x8b: {  	s0 =	sand.u32 $0x1, s1  }
0x8c: {  	s14 =	sshll.u32 s0, $0xA;
	s2 =	sadd.s32 s3, s2  }
0x8d: {  	s2 =	sadd.s32 s2, s14  }
0x8e: {  	[smem:$0x3FC6] =	sst s2  }
0x8f: {  	_ = 	snop  }
0x90: {  	s2 =	sld [smem:$0x3FD0];
	_ =	sdelay $0x2  }
0x91: {  	s15 =	simm.s32 $0xA;
	s4 =	simm.s32 $0x10  }
0x92: {  	[smem:s4], [sflag:s15] =	dma.local [hbm:s2], $0x1  }
0x93: {  	_ =	swait.eq [sflag:s15], $0x1  }
0x94: {  	[sflag:s15] =	ssyncset.done $0x0  }
0x95: {  	[sflag:s15] =	ssyncadd.s32 $0xFFFFFFFF  }
0x96: {  	s16 =	sld [smem:$0x10];
	(tm) =	ssettm $0x1  }
0x97: {  	s17 =	sld [smem:$0x3FFB];
	_ =	sdelay $0x3  }
0x98: {  	_ =	strace s17  }
0x99: {  	s3 =	sld [smem:$0x3FFC];
	_ =	sdelay $0x3  }
0x9a: {  	_ =	strace s3  }
0x9b: {  	s3 =	sld [smem:$0x3FFD];
	_ =	sdelay $0x3  }
0x9c: {  	_ =	strace s3  }
0x9d: {  	_ =	strace $0x8FFFFFFF  }
0x9e: {  	s18 =	sld [smem:$0x3FDB];
	_ =	sdelay $0x1  }
0x9f: {  	s19 =	simm.s32 $_scs_section_size  }
0xa0: {  	s5 =	simm.s32 $_size__tile_overlayer_lowered;
	s6 =	simm.s32 $_tile_overlayer_lowered  }
0xa1: {  	s22 =	simm.s32 $0x1BFF;
	s21 =	sshll.u32 s6, $0x1;
	s3 =	sadd.s32 s19, s18  }
0xa2: {  	s7 =	simm.s32 $0x0;
	s20 =	sshll.u32 s5, $0x1;
	s5 =	sadd.s32 s21, s3  }
0xa3: {  	[timem:s7], [sflag:s22] =	dma.local [hbm:s5], s20  }
0xa4: {  	_ =	swait.ge [sflag:s22], s20  }
0xa5: {  	s4 =	ssub.s32 $0x0, s20;
	[sflag:s22] =	ssyncset.done $0x0  }
0xa6: {  	[sflag:s22] =	ssyncadd.s32 s4;
	_ =	sdelay $0x1  }
0xa7: {  	s23 =	simm.s32 $0x1B8B  }
0xa8: {  	_ =	swait.ge [sflag:s23], $0x1  }
0xa9: {  	[sflag:s23] =	ssyncset.done $0x0  }
0xaa: {  	s25 =	simm.s32 $0x1B8E;
	s24 =	sld [smem:$0x3FFE];
	[sflag:s23] =	ssyncadd.s32 $0xFFFFFFFF  }
0xab: {  	s26 =	simm.s32 $execute0_lowered;
	[smem:$0x3FD2] =	sst s25  }
0xac: {  	s5 =	sshll.u32 s26, $0x1;
	_ =	strace $0x80000046;
	[dreg:$0x1] =	wrdreg $0xFFFFFFFF  }
0xad: {  	s28 =	simm.s32 $_size_execute0_lowered;
	s3 =	sadd.s32 s3, s5;
	[dreg:$0x0] =	wrdreg $0x0  }
0xae: {  	s5 =	sshll.u32 s28, $0x1;
	[dreg:$0x2] =	wrdreg s3  }
0xaf: {  	[dreg:$0x3] =	wrdreg s5  }
0xb0: {  	[dreg:$0x4] =	wrdreg $0xC0  }
0xb1: {  	_ =	task [dreg:s7], $0x5FFFF  }
0xb2: {  	[dreg:$0x1] =	wrdreg $0xFFFFFFFF  }
0xb3: {  	[dreg:$0x0] =	wrdreg $0x60  }
0xb4: {  	[dreg:$0x2] =	wrdreg s16  }
0xb5: {  	[dreg:$0x3] =	wrdreg s24  }
0xb6: {  	[dreg:$0x4] =	wrdreg $0x9  }
0xb7: {  	_ =	task.clear_ibuf [dreg:s7], $0x5FFFF;
	_ =	strace $0x90000046  }
0xb8: {  	s29 =	simm.s32 $0x9;
	_ =	strace $0x80000048  }
0xb9: {  	_ =	swait.ge [sflag:s29], $0x1  }
0xba: {  	[sflag:s29] =	ssyncadd.s32 $0xFFFFFFFF  }
0xbb: {  	_ =	strace $0x90000048  }
0xbc: {  	_ =	sfence  }
0xbd: {  	s30 =	sld [smem:$0x0];
	_ =	sdelay $0x2  }
0xbe: {  	s31 =	sshll.u32 s1, $0xD;
	s1 =	sshrl.u32 s1, $0x2  }
0xbf: {  	s3 =	sand.u32 $0x4000, s31;
	s1 =	sadd.s32 s1, s30  }
0xc0: {  	s0 =	sor.u32 s3, s0;
	s1 =	sshll.u32 s1, $0x11  }
0xc1: {  	s0 =	sor.u32 s1, s0  }
0xc2: {  	s0 =	sadd.s32 $0x8F2B, s0  }
0xc3: {  	[sflag:s0] =	ssyncadd.remote.s32 $0x1  }
0xc4: {  	_ =	sfence.sel $0xFFFF  }
0xc5: {  	[dreg:$0x0] =	wrdreg $0xFFFFFFFF;
	(pc) =	sbr.abs _section_cstart, $3  }
0xc6: {  	[dreg:$0x1] =	wrdreg $0xFFFFFFFF  }
0xc7: {  	_ =	task.clear_ibuf [dreg:s7], $0x2FFFF;
	_ =	strace $0x9FFFFFFF  }
0xc8: {  	(tm) =	ssettm $0x7FFFFFFF  }
0xc9: {  	_ =	shalt  }
tec
execute0_lowered:
.L_overlay_start_1:
0x0: {  	(tag) =	ssettag $0x1  }
0x1: {  	s1 =	rddreg [dreg:$0x0]  }
0x2: {  	s4 =	rddreg [dreg:$0x1]  }
0x3: {  	s0 =	rddreg [dreg:$0x2]  }
0x4: {  	s5 =	srdreg.scid;
	s3 =	simm.s32 $0x0;
	s2 =	stileid.u32  }
0x5: {  	s10 =	simm.s32 $0x1400;
	s11 =	simm.s32 $0x100;
	s12 =	simm.s32 $0x2400  }
0x6: {  	s13 =	simm.s32 $0x180;
	s14 =	simm.s32 $0x3400;
	s15 =	simm.s32 $0x200  }
0x7: {  	s16 =	simm.s32 $0x4400;
	s17 =	simm.s32 $0x280;
	s18 =	simm.s32 $0x5400  }
0x8: {  	s19 =	simm.s32 $0x300;
	s20 =	simm.s32 $0x6400;
	s21 =	simm.s32 $0x380  }
0x9: {  	s22 =	simm.s32 $0x7400;
	s23 =	simm.s32 $0x1;
	s24 =	simm.s32 $0x0  }
0xa: {  	s5 =	sand.u32 $0x1, s5;
	[smem:$0x7FF] =	sst s3;
	s6 =	sshll.u32 s2, $0xD  }
0xb: {  	s30 =	sshll.u32 s2, $0xF;
	s7 =	sshll.u32 s5, $0xC;
	_ =	strace $0x80000047  }
0xc: {  	s8 =	ssub.s32 $0x2, s5;
	s5 =	sshll.u32 s5, $0xE;
	s6 =	sor.u32 s7, s6  }
0xd: {  	s7 =	sadd.s32 s30, s4;
	s9 =	sshrl.u32 s8, $0x1;
	s6 =	sshrl.u32 s6, $0x3  }
0xe: {  	s31 =	ssub.s32 s8, s9;
	s5 =	sadd.s32 s5, s7;
	s7 =	simm.s32 $0x2  }
0xf: {  	s8 =	simm.s32 $0x80;
	s9 =	simm.s32 $0x400;
	s6 =	sadd.s32 s6, s4  }
0x10: {  	s4 =	smax.u32 s31, $0x1;
	s5 =	sadd.s32 $0x4600, s5;
	s6 =	sadd.s32 $0x600, s6  }
.LBB2_1:
0x11: {  	s25 =	sadd.s32 $0x0, s6  }
0x12: {  	[tilespmem:s3], [sflag:$0x2] =	stream.linear.gather [hbm4b:s25+s3], $0x400, $0x38;
	[tilespmem:$0x8400] =	vst v63  }
0x13: {  	_ =	swait.ge [sflag:s7], $0x400  }
0x14: {  	[sflag:s7] =	ssyncset.done $0x0  }
0x15: {  	[sflag:s7] =	ssyncadd.s32 $0xFFFFFC00  }
0x16: {  	[tilespmem:s9], [sflag:$0x1] =	stream.indirect.gather [hbm4b:s1+s8], $0x20, s3, s8, $0xb8;
	[tilespmem:$0x8400] =	vst v63  }
0x17: {  	_ = 	snop  }
0x18: {  	[tilespmem:s10], [sflag:$0x1] =	stream.indirect.gather [hbm4b:s1+s8], $0x20, s8, s8, $0xb8;
	[tilespmem:$0x8400] =	vst v63  }
0x19: {  	_ = 	snop  }
0x1a: {  	[tilespmem:s12], [sflag:$0x1] =	stream.indirect.gather [hbm4b:s1+s8], $0x20, s11, s8, $0xb8;
	[tilespmem:$0x8400] =	vst v63  }
0x1b: {  	_ = 	snop  }
0x1c: {  	[tilespmem:s14], [sflag:$0x1] =	stream.indirect.gather [hbm4b:s1+s8], $0x20, s13, s8, $0xb8;
	[tilespmem:$0x8400] =	vst v63  }
0x1d: {  	_ = 	snop  }
0x1e: {  	[tilespmem:s16], [sflag:$0x1] =	stream.indirect.gather [hbm4b:s1+s8], $0x20, s15, s8, $0xb8;
	[tilespmem:$0x8400] =	vst v63  }
0x1f: {  	_ = 	snop  }
0x20: {  	[tilespmem:s18], [sflag:$0x1] =	stream.indirect.gather [hbm4b:s1+s8], $0x20, s17, s8, $0xb8;
	[tilespmem:$0x8400] =	vst v63  }
0x21: {  	_ = 	snop  }
0x22: {  	[tilespmem:s20], [sflag:$0x1] =	stream.indirect.gather [hbm4b:s1+s8], $0x20, s19, s8, $0xb8;
	[tilespmem:$0x8400] =	vst v63  }
0x23: {  	_ = 	snop  }
0x24: {  	[tilespmem:s22], [sflag:$0x1] =	stream.indirect.gather [hbm4b:s1+s8], $0x20, s21, s8, $0xb8;
	[tilespmem:$0x8400] =	vst v63  }
0x25: {  	_ =	swait.ge [sflag:s23], $0x1000  }
0x26: {  	[sflag:s23] =	ssyncset.done $0x0  }
0x27: {  	[sflag:s23] =	ssyncadd.s32 $0xFFFFF000  }
0x28: {  	_ =	swait.ge [sflag:s23], $0x1000  }
0x29: {  	[sflag:s23] =	ssyncset.done $0x0  }
0x2a: {  	[sflag:s23] =	ssyncadd.s32 $0xFFFFF000  }
0x2b: {  	_ =	swait.ge [sflag:s23], $0x1000  }
0x2c: {  	[sflag:s23] =	ssyncset.done $0x0  }
0x2d: {  	[sflag:s23] =	ssyncadd.s32 $0xFFFFF000  }
0x2e: {  	_ =	swait.ge [sflag:s23], $0x1000  }
0x2f: {  	[sflag:s23] =	ssyncset.done $0x0  }
0x30: {  	[sflag:s23] =	ssyncadd.s32 $0xFFFFF000  }
0x31: {  	_ =	swait.ge [sflag:s23], $0x1000  }
0x32: {  	[sflag:s23] =	ssyncset.done $0x0  }
0x33: {  	[sflag:s23] =	ssyncadd.s32 $0xFFFFF000  }
0x34: {  	_ =	swait.ge [sflag:s23], $0x1000  }
0x35: {  	[sflag:s23] =	ssyncset.done $0x0  }
0x36: {  	[sflag:s23] =	ssyncadd.s32 $0xFFFFF000  }
0x37: {  	_ =	swait.ge [sflag:s23], $0x1000  }
0x38: {  	[sflag:s23] =	ssyncset.done $0x0  }
0x39: {  	[sflag:s23] =	ssyncadd.s32 $0xFFFFF000  }
0x3a: {  	_ =	swait.ge [sflag:s23], $0x1000  }
0x3b: {  	[sflag:s23] =	ssyncset.done $0x0  }
0x3c: {  	[sflag:s23] =	ssyncadd.s32 $0xFFFFF000  }
0x3d: {  	[hbm4b:s5+s3] =	stream.linear.scatter [tilespmem:s9], [sflag:$0x2], $0x8000, $0x38;
	[tilespmem:$0x8400] =	vst v63  }
0x3e: {  	s26 =	simm.s32 $0x80;
	_ =	swait.ge [sflag:s7], $0x8000  }
0x3f: {  	s29 =	simm.s32 $0x100;
	s25 =	sadd.s32 $0x1000, s5;
	[sflag:s7] =	ssyncset.done $0x0  }
.LBB2_2:
0x40: {  	s30 =	sadd.s32 s26, s6  }
0x41: {  	[sflag:s7] =	ssyncadd.s32 $0xFFFF8000;
	s26 =	smov.u32 s29;
	s28 =	sadd.s32 $0x80, s29  }
0x42: {  	[tilespmem:s3], [sflag:$0x2] =	stream.linear.gather [hbm4b:s30+s3], $0x400, $0x38;
	[tilespmem:$0x8400] =	vst v63  }
0x43: {  	p0 =	sne.s32 s29, $0x180;
	_ =	swait.ge [sflag:s7], $0x400  }
0x44: {  	[sflag:s7] =	ssyncset.done $0x0  }
0x45: {  	[sflag:s7] =	ssyncadd.s32 $0xFFFFFC00  }
0x46: {  	[tilespmem:s9], [sflag:$0x1] =	stream.indirect.gather [hbm4b:s1+s8], $0x20, s3, s8, $0xb8;
	[tilespmem:$0x8400] =	vst v63  }
0x47: {  	_ = 	snop  }
0x48: {  	[tilespmem:s10], [sflag:$0x1] =	stream.indirect.gather [hbm4b:s1+s8], $0x20, s8, s8, $0xb8;
	[tilespmem:$0x8400] =	vst v63  }
0x49: {  	_ = 	snop  }
0x4a: {  	[tilespmem:s12], [sflag:$0x1] =	stream.indirect.gather [hbm4b:s1+s8], $0x20, s11, s8, $0xb8;
	[tilespmem:$0x8400] =	vst v63  }
0x4b: {  	_ = 	snop  }
0x4c: {  	[tilespmem:s14], [sflag:$0x1] =	stream.indirect.gather [hbm4b:s1+s8], $0x20, s13, s8, $0xb8;
	[tilespmem:$0x8400] =	vst v63  }
0x4d: {  	_ = 	snop  }
0x4e: {  	[tilespmem:s16], [sflag:$0x1] =	stream.indirect.gather [hbm4b:s1+s8], $0x20, s15, s8, $0xb8;
	[tilespmem:$0x8400] =	vst v63  }
0x4f: {  	_ = 	snop  }
0x50: {  	[tilespmem:s18], [sflag:$0x1] =	stream.indirect.gather [hbm4b:s1+s8], $0x20, s17, s8, $0xb8;
	[tilespmem:$0x8400] =	vst v63  }
0x51: {  	_ = 	snop  }
0x52: {  	[tilespmem:s20], [sflag:$0x1] =	stream.indirect.gather [hbm4b:s1+s8], $0x20, s19, s8, $0xb8;
	[tilespmem:$0x8400] =	vst v63  }
0x53: {  	_ = 	snop  }
0x54: {  	[tilespmem:s22], [sflag:$0x1] =	stream.indirect.gather [hbm4b:s1+s8], $0x20, s21, s8, $0xb8;
	[tilespmem:$0x8400] =	vst v63  }
0x55: {  	_ =	swait.ge [sflag:s23], $0x1000  }
0x56: {  	[sflag:s23] =	ssyncset.done $0x0  }
0x57: {  	[sflag:s23] =	ssyncadd.s32 $0xFFFFF000  }
0x58: {  	_ =	swait.ge [sflag:s23], $0x1000  }
0x59: {  	[sflag:s23] =	ssyncset.done $0x0  }
0x5a: {  	[sflag:s23] =	ssyncadd.s32 $0xFFFFF000  }
0x5b: {  	_ =	swait.ge [sflag:s23], $0x1000  }
0x5c: {  	[sflag:s23] =	ssyncset.done $0x0  }
0x5d: {  	[sflag:s23] =	ssyncadd.s32 $0xFFFFF000  }
0x5e: {  	_ =	swait.ge [sflag:s23], $0x1000  }
0x5f: {  	[sflag:s23] =	ssyncset.done $0x0  }
0x60: {  	[sflag:s23] =	ssyncadd.s32 $0xFFFFF000  }
0x61: {  	_ =	swait.ge [sflag:s23], $0x1000  }
0x62: {  	[sflag:s23] =	ssyncset.done $0x0  }
0x63: {  	[sflag:s23] =	ssyncadd.s32 $0xFFFFF000  }
0x64: {  	_ =	swait.ge [sflag:s23], $0x1000  }
0x65: {  	[sflag:s23] =	ssyncset.done $0x0  }
0x66: {  	[sflag:s23] =	ssyncadd.s32 $0xFFFFF000  }
0x67: {  	_ =	swait.ge [sflag:s23], $0x1000  }
0x68: {  	[sflag:s23] =	ssyncset.done $0x0  }
0x69: {  	[sflag:s23] =	ssyncadd.s32 $0xFFFFF000  }
0x6a: {  	_ =	swait.ge [sflag:s23], $0x1000  }
.Ltmp0:
0x6b: {  	[sflag:s23] =	ssyncset.done $0x0;
	(pc) =	sbr.rel @p0 .LBB2_2-.Ltmp0, $4  }
0x6c: {  	[sflag:s23] =	ssyncadd.s32 $0xFFFFF000  }
0x6d: {  	[hbm4b:s25+s3] =	stream.linear.scatter [tilespmem:s9], [sflag:$0x2], $0x8000, $0x38;
	[tilespmem:$0x8400] =	vst v63  }
0x6e: {  	_ =	swait.ge [sflag:s7], $0x8000  }
0x6f: {  	s29 =	smov.u32 s28;
	s25 =	sadd.s32 $0x1000, s25;
	[sflag:s7] =	ssyncset.done $0x0  }
0x70: {  	s26 =	sadd.s32 s26, s6;
	[sflag:s7] =	ssyncadd.s32 $0xFFFF8000  }
0x71: {  	[tilespmem:s3], [sflag:$0x2] =	stream.linear.gather [hbm4b:s26+s3], $0x400, $0x38;
	[tilespmem:$0x8400] =	vst v63  }
0x72: {  	_ =	swait.ge [sflag:s7], $0x400  }
0x73: {  	[sflag:s7] =	ssyncset.done $0x0  }
0x74: {  	[sflag:s7] =	ssyncadd.s32 $0xFFFFFC00  }
0x75: {  	[tilespmem:s9], [sflag:$0x1] =	stream.indirect.gather [hbm4b:s1+s8], $0x20, s3, s8, $0xb8;
	[tilespmem:$0x8400] =	vst v63  }
0x76: {  	_ = 	snop  }
0x77: {  	[tilespmem:s10], [sflag:$0x1] =	stream.indirect.gather [hbm4b:s1+s8], $0x20, s8, s8, $0xb8;
	[tilespmem:$0x8400] =	vst v63  }
0x78: {  	_ = 	snop  }
0x79: {  	[tilespmem:s12], [sflag:$0x1] =	stream.indirect.gather [hbm4b:s1+s8], $0x20, s11, s8, $0xb8;
	[tilespmem:$0x8400] =	vst v63  }
0x7a: {  	_ = 	snop  }
0x7b: {  	[tilespmem:s14], [sflag:$0x1] =	stream.indirect.gather [hbm4b:s1+s8], $0x20, s13, s8, $0xb8;
	[tilespmem:$0x8400] =	vst v63  }
0x7c: {  	_ = 	snop  }
0x7d: {  	[tilespmem:s16], [sflag:$0x1] =	stream.indirect.gather [hbm4b:s1+s8], $0x20, s15, s8, $0xb8;
	[tilespmem:$0x8400] =	vst v63  }
0x7e: {  	_ = 	snop  }
0x7f: {  	[tilespmem:s18], [sflag:$0x1] =	stream.indirect.gather [hbm4b:s1+s8], $0x20, s17, s8, $0xb8;
	[tilespmem:$0x8400] =	vst v63  }
0x80: {  	_ = 	snop  }
0x81: {  	[tilespmem:s20], [sflag:$0x1] =	stream.indirect.gather [hbm4b:s1+s8], $0x20, s19, s8, $0xb8;
	[tilespmem:$0x8400] =	vst v63  }
0x82: {  	_ = 	snop  }
0x83: {  	[tilespmem:s22], [sflag:$0x1] =	stream.indirect.gather [hbm4b:s1+s8], $0x20, s21, s8, $0xb8;
	[tilespmem:$0x8400] =	vst v63  }
0x84: {  	_ =	swait.ge [sflag:s23], $0x1000  }
0x85: {  	[sflag:s23] =	ssyncset.done $0x0  }
0x86: {  	[sflag:s23] =	ssyncadd.s32 $0xFFFFF000  }
0x87: {  	_ =	swait.ge [sflag:s23], $0x1000  }
0x88: {  	[sflag:s23] =	ssyncset.done $0x0  }
0x89: {  	[sflag:s23] =	ssyncadd.s32 $0xFFFFF000  }
0x8a: {  	_ =	swait.ge [sflag:s23], $0x1000  }
0x8b: {  	[sflag:s23] =	ssyncset.done $0x0  }
0x8c: {  	[sflag:s23] =	ssyncadd.s32 $0xFFFFF000  }
0x8d: {  	_ =	swait.ge [sflag:s23], $0x1000  }
0x8e: {  	[sflag:s23] =	ssyncset.done $0x0  }
0x8f: {  	[sflag:s23] =	ssyncadd.s32 $0xFFFFF000  }
0x90: {  	_ =	swait.ge [sflag:s23], $0x1000  }
0x91: {  	[sflag:s23] =	ssyncset.done $0x0  }
0x92: {  	[sflag:s23] =	ssyncadd.s32 $0xFFFFF000  }
0x93: {  	_ =	swait.ge [sflag:s23], $0x1000  }
0x94: {  	[sflag:s23] =	ssyncset.done $0x0  }
0x95: {  	[sflag:s23] =	ssyncadd.s32 $0xFFFFF000  }
0x96: {  	_ =	swait.ge [sflag:s23], $0x1000  }
0x97: {  	[sflag:s23] =	ssyncset.done $0x0  }
0x98: {  	[sflag:s23] =	ssyncadd.s32 $0xFFFFF000  }
0x99: {  	s24 =	sadd.s32 $0x1, s24;
	_ =	swait.ge [sflag:s23], $0x1000  }
0x9a: {  	p0 =	sne.s32 s24, s4;
	[sflag:s23] =	ssyncset.done $0x0  }
.Ltmp1:
0x9b: {  	[sflag:s23] =	ssyncadd.s32 $0xFFFFF000;
	(pc) =	sbr.rel @p0 .LBB2_1-.Ltmp1, $4  }
0x9c: {  	[hbm4b:s25+s3] =	stream.linear.scatter [tilespmem:s9], [sflag:$0x2], $0x8000, $0x38;
	[tilespmem:$0x8400] =	vst v63  }
0x9d: {  	_ =	swait.ge [sflag:s7], $0x8000  }
0x9e: {  	[sflag:s7] =	ssyncset.done $0x0  }
0x9f: {  	[sflag:s7] =	ssyncadd.s32 $0xFFFF8000  }
0xa0: {  	_ =	sfence.sel $0x180000  }
0xa1: {  	[bflag:$0x0] =	sbarrier.arrive $0xFFFF  }
0xa2: {  	p0 =	sne.s32 s2, $0x0;
	_ =	strace $0x90000047  }
0xa3: {  	s0 =	sadd.s32 @!p0 $0x100000, s0;
	[bflag:$0x2] =	sbarrier.arrive $0xFFFF  }
0xa4: {  	[sflag:s0] =	ssyncadd.tile.s32 @!p0 $0x1;
	_ =	shalt  }
.Lfunc_end2:
_tile_overlayer_lowered:
.L_overlay_start_2:
0xa5: {  	(tag) =	ssettag $0x2  }
0xa6: {  	s0 =	rddreg [dreg:$0x0];
	s2 =	stileid.u32  }
0xa7: {  	s1 =	rddreg [dreg:$0x1];
	p0 =	sne.s32 s2, $0x0  }
0xa8: {  	s3 =	rddreg [dreg:$0x2];
	[bflag:$0x3] =	sbarrier.arrive $0xFFFF;
	s2 =	simm.s32 @!p0 $0x1C02  }
0xa9: {  	[timem:s3], [sflag:s2] =	dma.local @!p0 [hbm:s0], s1  }
0xaa: {  	s0 =	simm.s32 @!p0 $0x2  }
0xab: {  	_ =	swait.ge @!p0 [sflag:s0], s1  }
0xac: {  	s1 =	ssub.s32 @!p0 $0x0, s1;
	[sflag:s0] =	ssyncset.done @!p0 $0x0  }
0xad: {  	[sflag:s0] =	ssyncadd.s32 @!p0 s1  }
0xae: {  	[bflag:$0x3] =	sbarrier.arrive $0xFFFF  }
0xaf: {  	_ =	shalt  }

</sc_bundles>
